<compile_context>
chip_gen: v7x
topology: tpu7x:2x2x1
jax: 0.10.2.dev20260603
libtpu: 0.0.44.dev20260713+nightly
codegen_flags: <defaults>
</compile_context>

<pallas_src>
import functools

import jax
import jax.numpy as jnp
from jax import lax
from jax.experimental import pallas as pl
from jax.experimental.pallas import tpu as pltpu
from jax.experimental.pallas import tpu_sc as plsc

NUM_CORES = 2
NUM_SUBCORES = 16
NW = NUM_CORES * NUM_SUBCORES

BATCH = 16384
EMBED_DIM = 32
HIDDEN_DIM = 64
NUM_ROWS = 1000001
EPS = 1e-5

B_PER_W = BATCH // NW
IDX_CHUNK = 128
N_CHUNKS = B_PER_W // IDX_CHUNK

_CB = 8192
_NSTEP = 31
_Q = _NSTEP * _CB
_LAST_BLK = NUM_ROWS // _CB


def _relayout_body(t0_ref, t1_ref, t2_ref, t3_ref, out_ref):
    i = pl.program_id(0)
    lane = lax.broadcasted_iota(jnp.int32, (EMBED_DIM, _CB), 1)
    parts = []
    for k, tref in enumerate((t0_ref, t1_ref, t2_ref, t3_ref)):
        start = jnp.minimum(i + k * _NSTEP, _LAST_BLK) * _CB
        valid = (start + lane) < NUM_ROWS
        parts.append(jnp.where(valid, tref[...], 0.0))
    tt = jnp.concatenate(parts, axis=0)
    r = lax.broadcasted_iota(jnp.int32, (4 * EMBED_DIM, 4 * EMBED_DIM), 0)
    c = lax.broadcasted_iota(jnp.int32, (4 * EMBED_DIM, 4 * EMBED_DIM), 1)
    eye = (r == c).astype(jnp.float32)
    out_ref[...] = lax.dot_general(
        tt, eye,
        dimension_numbers=(((0,), (0,)), ((), ())),
        preferred_element_type=jnp.float32,
    )


def _tc_relayout(tableT):
    in_specs = [
        pl.BlockSpec(
            (EMBED_DIM, _CB),
            functools.partial(
                lambda k, i: (0, jnp.minimum(i + k * _NSTEP, _LAST_BLK)), k
            ),
        )
        for k in range(4)
    ]
    return pl.pallas_call(
        _relayout_body,
        grid=(_NSTEP,),
        in_specs=in_specs,
        out_specs=pl.BlockSpec((_CB, 4 * EMBED_DIM), lambda i: (i, 0)),
        out_shape=jax.ShapeDtypeStruct((_Q, 4 * EMBED_DIM), jnp.float32),
        compiler_params=pltpu.CompilerParams(fuse_transposed_lhs_in_matmul=True),
    )(tableT, tableT, tableT, tableT)


def _make_sc_gather():
    mesh = plsc.VectorSubcoreMesh(core_axis_name="c", subcore_axis_name="s")

    @functools.partial(
        pl.kernel,
        mesh=mesh,
        out_type=jax.ShapeDtypeStruct((BATCH, 4 * EMBED_DIM), jnp.float32),
        scratch_types=[
            pltpu.VMEM((N_CHUNKS, IDX_CHUNK), jnp.int32),
            pltpu.VMEM((N_CHUNKS, IDX_CHUNK), jnp.int32),
            pltpu.VMEM((B_PER_W, 4 * EMBED_DIM), jnp.float32),
            pltpu.SemaphoreType.DMA,
        ],
        compiler_params=pltpu.CompilerParams(use_tc_tiling_on_sc=False),
    )
    def sc_gather(ids_hbm, table_hbm, out_hbm, idx_v, q_v, val_v, sem):
        wid = lax.axis_index("s") * NUM_CORES + lax.axis_index("c")
        pltpu.sync_copy(ids_hbm.at[pl.ds(wid * N_CHUNKS, N_CHUNKS)], idx_v)
        for j in range(N_CHUNKS):
            for v in range(IDX_CHUNK // 16):
                t = idx_v[j, pl.ds(v * 16, 16)]
                k = jnp.zeros((16,), jnp.int32)
                for kk in (1, 2, 3):
                    k = k + jnp.where(t >= kk * _Q, 1, 0).astype(jnp.int32)
                q_v[j, pl.ds(v * 16, 16)] = t - k * _Q
        copies = [
            pltpu.async_copy(
                table_hbm.at[q_v.at[j]],
                val_v.at[pl.ds(j * IDX_CHUNK, IDX_CHUNK)],
                sem,
            )
            for j in range(N_CHUNKS)
        ]
        for cp in copies:
            cp.wait()
        pltpu.sync_copy(val_v, out_hbm.at[pl.ds(wid * B_PER_W, B_PER_W)])

    return sc_gather


_sc_gather = _make_sc_gather()

_BB = 2048


def _mlp_body(emb_ref, ids_ref, w_ref, b_ref, g_ref, be_ref, out_ref):
    ids = ids_ref[...]
    kband = jnp.zeros((_BB, 1), jnp.int32)
    for kk in (1, 2, 3):
        kband = kband + jnp.where(ids >= kk * _Q, 1, 0).astype(jnp.int32)
    fv = emb_ref[...]
    sel = fv[:, 0:EMBED_DIM]
    for kk in (1, 2, 3):
        sel = jnp.where(
            kband >= kk, fv[:, kk * EMBED_DIM:(kk + 1) * EMBED_DIM], sel
        )
    h = jnp.dot(sel, w_ref[...], preferred_element_type=jnp.float32)
    h = h + b_ref[...]
    mu = jnp.mean(h, axis=-1, keepdims=True)
    var = jnp.mean((h - mu) ** 2, axis=-1, keepdims=True)
    hn = (h - mu) * lax.rsqrt(var + EPS)
    out_ref[...] = jnp.maximum(hn * g_ref[...] + be_ref[...], 0.0)


def _tc_mlp(emb128, task_ids, W, b, gamma, beta):
    grid = (BATCH // _BB,)
    return pl.pallas_call(
        _mlp_body,
        grid=grid,
        in_specs=[
            pl.BlockSpec((_BB, 4 * EMBED_DIM), lambda i: (i, 0)),
            pl.BlockSpec((_BB, 1), lambda i: (i, 0)),
            pl.BlockSpec((EMBED_DIM, HIDDEN_DIM), lambda i: (0, 0)),
            pl.BlockSpec((1, HIDDEN_DIM), lambda i: (0, 0)),
            pl.BlockSpec((1, HIDDEN_DIM), lambda i: (0, 0)),
            pl.BlockSpec((1, HIDDEN_DIM), lambda i: (0, 0)),
        ],
        out_specs=pl.BlockSpec((_BB, HIDDEN_DIM), lambda i: (i, 0)),
        out_shape=jax.ShapeDtypeStruct((BATCH, HIDDEN_DIM), jnp.float32),
    )(emb128, task_ids, W, b.reshape(1, -1), gamma.reshape(1, -1), beta.reshape(1, -1))


@jax.jit
def kernel(task_ids, table, W, b, gamma, beta):
    ids = task_ids.reshape(BATCH // IDX_CHUNK, IDX_CHUNK).astype(jnp.int32)
    table128 = _tc_relayout(table.T)
    emb128 = _sc_gather(ids, table128)
    return _tc_mlp(emb128, task_ids.astype(jnp.int32), W, b, gamma, beta)

# --- scband reference (transcript-rebuilt; emitter-appended) ---
"""Pipeline reference for scband-task-encoder-17214228922797 (READ-ONLY COPY).

The authoritative reference and input builder live on the scoring server;
editing this copy changes nothing except your own understanding.
"""

import jax, jax.numpy as jnp
import numpy as np

NUM_TASKS = 1000000
EMBED_DIM = 32
HIDDEN_DIM = 64
BATCH = 16384
EPS = 1e-5

def setup_inputs(seed: int = 0):
    key = jax.random.key(seed)
    k1, k2, k3 = jax.random.split(key, 3)
    task_ids = jax.random.randint(k1, (BATCH, 1), 0, NUM_TASKS + 1)
    table = jax.random.normal(k2, (NUM_TASKS + 1, EMBED_DIM), dtype=jnp.float32) * 0.02
    W = jax.random.normal(k3, (EMBED_DIM, HIDDEN_DIM), dtype=jnp.float32) * 0.05
    b = jnp.zeros((HIDDEN_DIM,), dtype=jnp.float32)
    gamma = jnp.ones((HIDDEN_DIM,), dtype=jnp.float32)
    beta = jnp.zeros((HIDDEN_DIM,), dtype=jnp.float32)
    return {"task_ids": task_ids, "table": table, "W": W, "b": b, "gamma": gamma, "beta": beta}

def reference(task_ids, table, W, b, gamma, beta):
    ids = jnp.squeeze(task_ids, axis=-1)
    emb = jnp.take(table, ids, axis=0)
    h = emb @ W + b
    mu = jnp.mean(h, axis=-1, keepdims=True)
    var = jnp.mean((h - mu) ** 2, axis=-1, keepdims=True)
    hn = (h - mu) / jnp.sqrt(var + EPS)
    out = jnp.maximum(hn * gamma + beta, 0.0)
    # dropout is identity in eval/inference mode
    return out

if __name__ == "__main__":
    import jax
    _d = setup_inputs()
    print(jax.jit(kernel)(*tuple(_d.values())))

</pallas_src>

<mosaic_0001>
#map = affine_map<(d0, d1) -> (0, 0)>
module attributes {stable_mosaic.version = 14 : i64} {
  func.func @sc_gather(%arg0: i32, %arg1: i32, %arg2: memref<128x128xi32, #tpu.memory_space<hbm>>, %arg3: memref<253952x128xf32, #tpu.memory_space<hbm>>, %arg4: memref<16384x128xf32, #tpu.memory_space<hbm>>, %arg5: memref<4x128xi32, #tpu.memory_space<vmem>>, %arg6: memref<4x128xi32, #tpu.memory_space<vmem>>, %arg7: memref<512x128xf32, #tpu.memory_space<vmem>>, %arg8: memref<!tpu.dma_semaphore, #tpu.memory_space<semaphore_mem>>) attributes {dimension_semantics = [#tpu.dimension_semantics<core_parallel>, #tpu.dimension_semantics<subcore_parallel>], iteration_bounds = array<i64: 2, 16>, scalar_prefetch = 0 : i64, scratch_operands = 4 : i64, tpu.core_type = #tpu.core_type<sc_vector_subcore>, window_params = [{transform_indices = #map}, {transform_indices = #map}, {transform_indices = #map}]} {
    %mul3A = arith.constant 2 : i32
    %mul3A_0 = arith.muli %arg1, %mul3A : i32
    %add3A = arith.addi %mul3A_0, %arg0 : i32
    %mul3A_1 = arith.constant 4 : i32
    %mul3A_2 = arith.muli %add3A, %mul3A_1 : i32
    "tpu.region"() ({
      %run_scoped3A = tpu.sem_alloc : memref<!tpu.dma_semaphore, #tpu.memory_space<semaphore_mem>>
      %dma_start3A_1484 = arith.constant 0 : i32
      %dma_start3A_1485 = tpu.memref_slice %arg2[%mul3A_2, %dma_start3A_1484] : memref<128x128xi32, #tpu.memory_space<hbm>> -> memref<4x128xi32, #tpu.memory_space<hbm>>
      %dma_start3A_1486 = arith.constant 0 : i32
      %dma_start3A_1487 = tpu.memref_slice %arg2[%mul3A_2, %dma_start3A_1486] : memref<128x128xi32, #tpu.memory_space<hbm>> -> memref<4x128xi32, #tpu.memory_space<hbm>>
      tpu.enqueue_dma source(%dma_start3A_1487 : memref<4x128xi32, #tpu.memory_space<hbm>>) target(%arg5 : memref<4x128xi32, #tpu.memory_space<vmem>>) target_semaphore(%run_scoped3A : memref<!tpu.dma_semaphore, #tpu.memory_space<semaphore_mem>>)
      %dma_wait3A_1488 = arith.constant 0 : i32
      %dma_wait3A_1489 = tpu.memref_slice %arg2[%mul3A_2, %dma_wait3A_1488] : memref<128x128xi32, #tpu.memory_space<hbm>> -> memref<4x128xi32, #tpu.memory_space<hbm>>
      %dma_wait3A_1490 = arith.constant 0 : i32
      %dma_wait3A_1491 = tpu.memref_slice %arg2[%mul3A_2, %dma_wait3A_1490] : memref<128x128xi32, #tpu.memory_space<hbm>> -> memref<4x128xi32, #tpu.memory_space<hbm>>
      tpu.wait_dma2 semaphore(%run_scoped3A : memref<!tpu.dma_semaphore, #tpu.memory_space<semaphore_mem>>) src(%dma_wait3A_1491 : memref<4x128xi32, #tpu.memory_space<hbm>>) dst(%arg5 : memref<4x128xi32, #tpu.memory_space<vmem>>)
      tpu.yield
    }) : () -> ()
    %get3A = arith.constant 0 : i32
    %get3A_3 = arith.index_cast %get3A : i32 to index
    %get3A_4 = arith.constant 0 : index
    %get3A_5 = tpu.vector_load %arg5[%get3A_3, %get3A_4] {strides = array<i32>} : memref<4x128xi32, #tpu.memory_space<vmem>>, vector<1x16xi32>,
    %get3A_6 = vector.shape_cast %get3A_5 : vector<1x16xi32> to vector<16xi32>
    %broadcast_in_dim3A = arith.constant 0 : i32
    %broadcast_in_dim3A_7 = vector.broadcast %broadcast_in_dim3A : i32 to vector<16xi32>
    %ge3A = arith.constant 253952 : i32
    %ge3A_8 = vector.broadcast %ge3A : i32 to vector<16xi32>
    %ge3A_9 = arith.cmpi sge, %get3A_6, %ge3A_8 : vector<16xi32>
    %jit3A = arith.constant 1 : i32
    %jit3A_10 = arith.constant 0 : i32
    %broadcast_in_dim3A_11 = vector.broadcast %jit3A : i32 to vector<16xi32>
    %broadcast_in_dim3A_12 = vector.broadcast %jit3A_10 : i32 to vector<16xi32>
    %select_n3A = arith.select %ge3A_9, %broadcast_in_dim3A_11, %broadcast_in_dim3A_12 : vector<16xi1>, vector<16xi32>
    %add3A_13 = arith.addi %broadcast_in_dim3A_7, %select_n3A : vector<16xi32>
    %ge3A_14 = arith.constant 507904 : i32
    %ge3A_15 = vector.broadcast %ge3A_14 : i32 to vector<16xi32>
    %ge3A_16 = arith.cmpi sge, %get3A_6, %ge3A_15 : vector<16xi32>
    %jit3A_17 = arith.constant 1 : i32
    %jit3A_18 = arith.constant 0 : i32
    %broadcast_in_dim3A_19 = vector.broadcast %jit3A_17 : i32 to vector<16xi32>
    %broadcast_in_dim3A_20 = vector.broadcast %jit3A_18 : i32 to vector<16xi32>
    %select_n3A_21 = arith.select %ge3A_16, %broadcast_in_dim3A_19, %broadcast_in_dim3A_20 : vector<16xi1>, vector<16xi32>
    %add3A_22 = arith.addi %add3A_13, %select_n3A_21 : vector<16xi32>
    %ge3A_23 = arith.constant 761856 : i32
    %ge3A_24 = vector.broadcast %ge3A_23 : i32 to vector<16xi32>
    %ge3A_25 = arith.cmpi sge, %get3A_6, %ge3A_24 : vector<16xi32>
    %jit3A_26 = arith.constant 1 : i32
    %jit3A_27 = arith.constant 0 : i32
    %broadcast_in_dim3A_28 = vector.broadcast %jit3A_26 : i32 to vector<16xi32>
    %broadcast_in_dim3A_29 = vector.broadcast %jit3A_27 : i32 to vector<16xi32>
    %select_n3A_30 = arith.select %ge3A_25, %broadcast_in_dim3A_28, %broadcast_in_dim3A_29 : vector<16xi1>, vector<16xi32>
    %add3A_31 = arith.addi %add3A_22, %select_n3A_30 : vector<16xi32>
    %mul3A_32 = arith.constant 253952 : i32
    %mul3A_33 = vector.broadcast %mul3A_32 : i32 to vector<16xi32>
    %mul3A_34 = arith.muli %add3A_31, %mul3A_33 : vector<16xi32>
    %sub3A = arith.subi %get3A_6, %mul3A_34 : vector<16xi32>
    %swap3A = arith.constant 0 : i32
    %swap3A_35 = arith.index_cast %swap3A : i32 to index
    %swap3A_36 = arith.constant 0 : index
    %swap3A_37 = tpu.vector_load %arg6[%swap3A_35, %swap3A_36] {strides = array<i32>} : memref<4x128xi32, #tpu.memory_space<vmem>>, vector<1x16xi32>,
    %swap3A_38 = vector.shape_cast %swap3A_37 : vector<1x16xi32> to vector<16xi32>
    %swap3A_39 = vector.shape_cast %sub3A : vector<16xi32> to vector<1x16xi32>
    tpu.vector_store %arg6[%swap3A_35, %swap3A_36], %swap3A_39 {strides = array<i32>} : memref<4x128xi32, #tpu.memory_space<vmem>>, vector<1x16xi32>,
    %get3A_40 = arith.constant 0 : i32
    %get3A_41 = arith.index_cast %get3A_40 : i32 to index
    %get3A_42 = arith.constant 16 : index
    %get3A_43 = tpu.vector_load %arg5[%get3A_41, %get3A_42] {strides = array<i32>} : memref<4x128xi32, #tpu.memory_space<vmem>>, vector<1x16xi32>,
    %get3A_44 = vector.shape_cast %get3A_43 : vector<1x16xi32> to vector<16xi32>
    %broadcast_in_dim3A_45 = arith.constant 0 : i32
    %broadcast_in_dim3A_46 = vector.broadcast %broadcast_in_dim3A_45 : i32 to vector<16xi32>
    %ge3A_47 = arith.constant 253952 : i32
    %ge3A_48 = vector.broadcast %ge3A_47 : i32 to vector<16xi32>
    %ge3A_49 = arith.cmpi sge, %get3A_44, %ge3A_48 : vector<16xi32>
    %jit3A_50 = arith.constant 1 : i32
    %jit3A_51 = arith.constant 0 : i32
    %broadcast_in_dim3A_52 = vector.broadcast %jit3A_50 : i32 to vector<16xi32>
    %broadcast_in_dim3A_53 = vector.broadcast %jit3A_51 : i32 to vector<16xi32>
    %select_n3A_54 = arith.select %ge3A_49, %broadcast_in_dim3A_52, %broadcast_in_dim3A_53 : vector<16xi1>, vector<16xi32>
    %add3A_55 = arith.addi %broadcast_in_dim3A_46, %select_n3A_54 : vector<16xi32>
    %ge3A_56 = arith.constant 507904 : i32
    %ge3A_57 = vector.broadcast %ge3A_56 : i32 to vector<16xi32>
    %ge3A_58 = arith.cmpi sge, %get3A_44, %ge3A_57 : vector<16xi32>
    %jit3A_59 = arith.constant 1 : i32
    %jit3A_60 = arith.constant 0 : i32
    %broadcast_in_dim3A_61 = vector.broadcast %jit3A_59 : i32 to vector<16xi32>
    %broadcast_in_dim3A_62 = vector.broadcast %jit3A_60 : i32 to vector<16xi32>
    %select_n3A_63 = arith.select %ge3A_58, %broadcast_in_dim3A_61, %broadcast_in_dim3A_62 : vector<16xi1>, vector<16xi32>
    %add3A_64 = arith.addi %add3A_55, %select_n3A_63 : vector<16xi32>
    %ge3A_65 = arith.constant 761856 : i32
    %ge3A_66 = vector.broadcast %ge3A_65 : i32 to vector<16xi32>
    %ge3A_67 = arith.cmpi sge, %get3A_44, %ge3A_66 : vector<16xi32>
    %jit3A_68 = arith.constant 1 : i32
    %jit3A_69 = arith.constant 0 : i32
    %broadcast_in_dim3A_70 = vector.broadcast %jit3A_68 : i32 to vector<16xi32>
    %broadcast_in_dim3A_71 = vector.broadcast %jit3A_69 : i32 to vector<16xi32>
    %select_n3A_72 = arith.select %ge3A_67, %broadcast_in_dim3A_70, %broadcast_in_dim3A_71 : vector<16xi1>, vector<16xi32>
    %add3A_73 = arith.addi %add3A_64, %select_n3A_72 : vector<16xi32>
    %mul3A_74 = arith.constant 253952 : i32
    %mul3A_75 = vector.broadcast %mul3A_74 : i32 to vector<16xi32>
    %mul3A_76 = arith.muli %add3A_73, %mul3A_75 : vector<16xi32>
    %sub3A_77 = arith.subi %get3A_44, %mul3A_76 : vector<16xi32>
    %swap3A_78 = arith.constant 0 : i32
    %swap3A_79 = arith.index_cast %swap3A_78 : i32 to index
    %swap3A_80 = arith.constant 16 : index
    %swap3A_81 = tpu.vector_load %arg6[%swap3A_79, %swap3A_80] {strides = array<i32>} : memref<4x128xi32, #tpu.memory_space<vmem>>, vector<1x16xi32>,
    %swap3A_82 = vector.shape_cast %swap3A_81 : vector<1x16xi32> to vector<16xi32>
    %swap3A_83 = vector.shape_cast %sub3A_77 : vector<16xi32> to vector<1x16xi32>
    tpu.vector_store %arg6[%swap3A_79, %swap3A_80], %swap3A_83 {strides = array<i32>} : memref<4x128xi32, #tpu.memory_space<vmem>>, vector<1x16xi32>,
    %get3A_84 = arith.constant 0 : i32
    %get3A_85 = arith.index_cast %get3A_84 : i32 to index
    %get3A_86 = arith.constant 32 : index
    %get3A_87 = tpu.vector_load %arg5[%get3A_85, %get3A_86] {strides = array<i32>} : memref<4x128xi32, #tpu.memory_space<vmem>>, vector<1x16xi32>,
    %get3A_88 = vector.shape_cast %get3A_87 : vector<1x16xi32> to vector<16xi32>
    %broadcast_in_dim3A_89 = arith.constant 0 : i32
    %broadcast_in_dim3A_90 = vector.broadcast %broadcast_in_dim3A_89 : i32 to vector<16xi32>
    %ge3A_91 = arith.constant 253952 : i32
    %ge3A_92 = vector.broadcast %ge3A_91 : i32 to vector<16xi32>
    %ge3A_93 = arith.cmpi sge, %get3A_88, %ge3A_92 : vector<16xi32>
    %jit3A_94 = arith.constant 1 : i32
    %jit3A_95 = arith.constant 0 : i32
    %broadcast_in_dim3A_96 = vector.broadcast %jit3A_94 : i32 to vector<16xi32>
    %broadcast_in_dim3A_97 = vector.broadcast %jit3A_95 : i32 to vector<16xi32>
    %select_n3A_98 = arith.select %ge3A_93, %broadcast_in_dim3A_96, %broadcast_in_dim3A_97 : vector<16xi1>, vector<16xi32>
    %add3A_99 = arith.addi %broadcast_in_dim3A_90, %select_n3A_98 : vector<16xi32>
    %ge3A_100 = arith.constant 507904 : i32
    %ge3A_101 = vector.broadcast %ge3A_100 : i32 to vector<16xi32>
    %ge3A_102 = arith.cmpi sge, %get3A_88, %ge3A_101 : vector<16xi32>
    %jit3A_103 = arith.constant 1 : i32
    %jit3A_104 = arith.constant 0 : i32
    %broadcast_in_dim3A_105 = vector.broadcast %jit3A_103 : i32 to vector<16xi32>
    %broadcast_in_dim3A_106 = vector.broadcast %jit3A_104 : i32 to vector<16xi32>
    %select_n3A_107 = arith.select %ge3A_102, %broadcast_in_dim3A_105, %broadcast_in_dim3A_106 : vector<16xi1>, vector<16xi32>
    %add3A_108 = arith.addi %add3A_99, %select_n3A_107 : vector<16xi32>
    %ge3A_109 = arith.constant 761856 : i32
    %ge3A_110 = vector.broadcast %ge3A_109 : i32 to vector<16xi32>
    %ge3A_111 = arith.cmpi sge, %get3A_88, %ge3A_110 : vector<16xi32>
    %jit3A_112 = arith.constant 1 : i32
    %jit3A_113 = arith.constant 0 : i32
    %broadcast_in_dim3A_114 = vector.broadcast %jit3A_112 : i32 to vector<16xi32>
    %broadcast_in_dim3A_115 = vector.broadcast %jit3A_113 : i32 to vector<16xi32>
    %select_n3A_116 = arith.select %ge3A_111, %broadcast_in_dim3A_114, %broadcast_in_dim3A_115 : vector<16xi1>, vector<16xi32>
    %add3A_117 = arith.addi %add3A_108, %select_n3A_116 : vector<16xi32>
    %mul3A_118 = arith.constant 253952 : i32
    %mul3A_119 = vector.broadcast %mul3A_118 : i32 to vector<16xi32>
    %mul3A_120 = arith.muli %add3A_117, %mul3A_119 : vector<16xi32>
    %sub3A_121 = arith.subi %get3A_88, %mul3A_120 : vector<16xi32>
    %swap3A_122 = arith.constant 0 : i32
    %swap3A_123 = arith.index_cast %swap3A_122 : i32 to index
    %swap3A_124 = arith.constant 32 : index
    %swap3A_125 = tpu.vector_load %arg6[%swap3A_123, %swap3A_124] {strides = array<i32>} : memref<4x128xi32, #tpu.memory_space<vmem>>, vector<1x16xi32>,
    %swap3A_126 = vector.shape_cast %swap3A_125 : vector<1x16xi32> to vector<16xi32>
    %swap3A_127 = vector.shape_cast %sub3A_121 : vector<16xi32> to vector<1x16xi32>
    tpu.vector_store %arg6[%swap3A_123, %swap3A_124], %swap3A_127 {strides = array<i32>} : memref<4x128xi32, #tpu.memory_space<vmem>>, vector<1x16xi32>,
    %get3A_128 = arith.constant 0 : i32
    %get3A_129 = arith.index_cast %get3A_128 : i32 to index
    %get3A_130 = arith.constant 48 : index
    %get3A_131 = tpu.vector_load %arg5[%get3A_129, %get3A_130] {strides = array<i32>} : memref<4x128xi32, #tpu.memory_space<vmem>>, vector<1x16xi32>,
    %get3A_132 = vector.shape_cast %get3A_131 : vector<1x16xi32> to vector<16xi32>
    %broadcast_in_dim3A_133 = arith.constant 0 : i32
    %broadcast_in_dim3A_134 = vector.broadcast %broadcast_in_dim3A_133 : i32 to vector<16xi32>
    %ge3A_135 = arith.constant 253952 : i32
    %ge3A_136 = vector.broadcast %ge3A_135 : i32 to vector<16xi32>
    %ge3A_137 = arith.cmpi sge, %get3A_132, %ge3A_136 : vector<16xi32>
    %jit3A_138 = arith.constant 1 : i32
    %jit3A_139 = arith.constant 0 : i32
    %broadcast_in_dim3A_140 = vector.broadcast %jit3A_138 : i32 to vector<16xi32>
    %broadcast_in_dim3A_141 = vector.broadcast %jit3A_139 : i32 to vector<16xi32>
    %select_n3A_142 = arith.select %ge3A_137, %broadcast_in_dim3A_140, %broadcast_in_dim3A_141 : vector<16xi1>, vector<16xi32>
    %add3A_143 = arith.addi %broadcast_in_dim3A_134, %select_n3A_142 : vector<16xi32>
    %ge3A_144 = arith.constant 507904 : i32
    %ge3A_145 = vector.broadcast %ge3A_144 : i32 to vector<16xi32>
    %ge3A_146 = arith.cmpi sge, %get3A_132, %ge3A_145 : vector<16xi32>
    %jit3A_147 = arith.constant 1 : i32
    %jit3A_148 = arith.constant 0 : i32
    %broadcast_in_dim3A_149 = vector.broadcast %jit3A_147 : i32 to vector<16xi32>
    %broadcast_in_dim3A_150 = vector.broadcast %jit3A_148 : i32 to vector<16xi32>
    %select_n3A_151 = arith.select %ge3A_146, %broadcast_in_dim3A_149, %broadcast_in_dim3A_150 : vector<16xi1>, vector<16xi32>
    %add3A_152 = arith.addi %add3A_143, %select_n3A_151 : vector<16xi32>
    %ge3A_153 = arith.constant 761856 : i32
    %ge3A_154 = vector.broadcast %ge3A_153 : i32 to vector<16xi32>
    %ge3A_155 = arith.cmpi sge, %get3A_132, %ge3A_154 : vector<16xi32>
    %jit3A_156 = arith.constant 1 : i32
    %jit3A_157 = arith.constant 0 : i32
    %broadcast_in_dim3A_158 = vector.broadcast %jit3A_156 : i32 to vector<16xi32>
    %broadcast_in_dim3A_159 = vector.broadcast %jit3A_157 : i32 to vector<16xi32>
    %select_n3A_160 = arith.select %ge3A_155, %broadcast_in_dim3A_158, %broadcast_in_dim3A_159 : vector<16xi1>, vector<16xi32>
    %add3A_161 = arith.addi %add3A_152, %select_n3A_160 : vector<16xi32>
    %mul3A_162 = arith.constant 253952 : i32
    %mul3A_163 = vector.broadcast %mul3A_162 : i32 to vector<16xi32>
    %mul3A_164 = arith.muli %add3A_161, %mul3A_163 : vector<16xi32>
    %sub3A_165 = arith.subi %get3A_132, %mul3A_164 : vector<16xi32>
    %swap3A_166 = arith.constant 0 : i32
    %swap3A_167 = arith.index_cast %swap3A_166 : i32 to index
    %swap3A_168 = arith.constant 48 : index
    %swap3A_169 = tpu.vector_load %arg6[%swap3A_167, %swap3A_168] {strides = array<i32>} : memref<4x128xi32, #tpu.memory_space<vmem>>, vector<1x16xi32>,
    %swap3A_170 = vector.shape_cast %swap3A_169 : vector<1x16xi32> to vector<16xi32>
    %swap3A_171 = vector.shape_cast %sub3A_165 : vector<16xi32> to vector<1x16xi32>
    tpu.vector_store %arg6[%swap3A_167, %swap3A_168], %swap3A_171 {strides = array<i32>} : memref<4x128xi32, #tpu.memory_space<vmem>>, vector<1x16xi32>,
    %get3A_172 = arith.constant 0 : i32
    %get3A_173 = arith.index_cast %get3A_172 : i32 to index
    %get3A_174 = arith.constant 64 : index
    %get3A_175 = tpu.vector_load %arg5[%get3A_173, %get3A_174] {strides = array<i32>} : memref<4x128xi32, #tpu.memory_space<vmem>>, vector<1x16xi32>,
    %get3A_176 = vector.shape_cast %get3A_175 : vector<1x16xi32> to vector<16xi32>
    %broadcast_in_dim3A_177 = arith.constant 0 : i32
    %broadcast_in_dim3A_178 = vector.broadcast %broadcast_in_dim3A_177 : i32 to vector<16xi32>
    %ge3A_179 = arith.constant 253952 : i32
    %ge3A_180 = vector.broadcast %ge3A_179 : i32 to vector<16xi32>
    %ge3A_181 = arith.cmpi sge, %get3A_176, %ge3A_180 : vector<16xi32>
    %jit3A_182 = arith.constant 1 : i32
    %jit3A_183 = arith.constant 0 : i32
    %broadcast_in_dim3A_184 = vector.broadcast %jit3A_182 : i32 to vector<16xi32>
    %broadcast_in_dim3A_185 = vector.broadcast %jit3A_183 : i32 to vector<16xi32>
    %select_n3A_186 = arith.select %ge3A_181, %broadcast_in_dim3A_184, %broadcast_in_dim3A_185 : vector<16xi1>, vector<16xi32>
    %add3A_187 = arith.addi %broadcast_in_dim3A_178, %select_n3A_186 : vector<16xi32>
    %ge3A_188 = arith.constant 507904 : i32
    %ge3A_189 = vector.broadcast %ge3A_188 : i32 to vector<16xi32>
    %ge3A_190 = arith.cmpi sge, %get3A_176, %ge3A_189 : vector<16xi32>
    %jit3A_191 = arith.constant 1 : i32
    %jit3A_192 = arith.constant 0 : i32
    %broadcast_in_dim3A_193 = vector.broadcast %jit3A_191 : i32 to vector<16xi32>
    %broadcast_in_dim3A_194 = vector.broadcast %jit3A_192 : i32 to vector<16xi32>
    %select_n3A_195 = arith.select %ge3A_190, %broadcast_in_dim3A_193, %broadcast_in_dim3A_194 : vector<16xi1>, vector<16xi32>
    %add3A_196 = arith.addi %add3A_187, %select_n3A_195 : vector<16xi32>
    %ge3A_197 = arith.constant 761856 : i32
    %ge3A_198 = vector.broadcast %ge3A_197 : i32 to vector<16xi32>
    %ge3A_199 = arith.cmpi sge, %get3A_176, %ge3A_198 : vector<16xi32>
    %jit3A_200 = arith.constant 1 : i32
    %jit3A_201 = arith.constant 0 : i32
    %broadcast_in_dim3A_202 = vector.broadcast %jit3A_200 : i32 to vector<16xi32>
    %broadcast_in_dim3A_203 = vector.broadcast %jit3A_201 : i32 to vector<16xi32>
    %select_n3A_204 = arith.select %ge3A_199, %broadcast_in_dim3A_202, %broadcast_in_dim3A_203 : vector<16xi1>, vector<16xi32>
    %add3A_205 = arith.addi %add3A_196, %select_n3A_204 : vector<16xi32>
    %mul3A_206 = arith.constant 253952 : i32
    %mul3A_207 = vector.broadcast %mul3A_206 : i32 to vector<16xi32>
    %mul3A_208 = arith.muli %add3A_205, %mul3A_207 : vector<16xi32>
    %sub3A_209 = arith.subi %get3A_176, %mul3A_208 : vector<16xi32>
    %swap3A_210 = arith.constant 0 : i32
    %swap3A_211 = arith.index_cast %swap3A_210 : i32 to index
    %swap3A_212 = arith.constant 64 : index
    %swap3A_213 = tpu.vector_load %arg6[%swap3A_211, %swap3A_212] {strides = array<i32>} : memref<4x128xi32, #tpu.memory_space<vmem>>, vector<1x16xi32>,
    %swap3A_214 = vector.shape_cast %swap3A_213 : vector<1x16xi32> to vector<16xi32>
    %swap3A_215 = vector.shape_cast %sub3A_209 : vector<16xi32> to vector<1x16xi32>
    tpu.vector_store %arg6[%swap3A_211, %swap3A_212], %swap3A_215 {strides = array<i32>} : memref<4x128xi32, #tpu.memory_space<vmem>>, vector<1x16xi32>,
    %get3A_216 = arith.constant 0 : i32
    %get3A_217 = arith.index_cast %get3A_216 : i32 to index
    %get3A_218 = arith.constant 80 : index
    %get3A_219 = tpu.vector_load %arg5[%get3A_217, %get3A_218] {strides = array<i32>} : memref<4x128xi32, #tpu.memory_space<vmem>>, vector<1x16xi32>,
    %get3A_220 = vector.shape_cast %get3A_219 : vector<1x16xi32> to vector<16xi32>
    %broadcast_in_dim3A_221 = arith.constant 0 : i32
    %broadcast_in_dim3A_222 = vector.broadcast %broadcast_in_dim3A_221 : i32 to vector<16xi32>
    %ge3A_223 = arith.constant 253952 : i32
    %ge3A_224 = vector.broadcast %ge3A_223 : i32 to vector<16xi32>
    %ge3A_225 = arith.cmpi sge, %get3A_220, %ge3A_224 : vector<16xi32>
    %jit3A_226 = arith.constant 1 : i32
    %jit3A_227 = arith.constant 0 : i32
    %broadcast_in_dim3A_228 = vector.broadcast %jit3A_226 : i32 to vector<16xi32>
    %broadcast_in_dim3A_229 = vector.broadcast %jit3A_227 : i32 to vector<16xi32>
    %select_n3A_230 = arith.select %ge3A_225, %broadcast_in_dim3A_228, %broadcast_in_dim3A_229 : vector<16xi1>, vector<16xi32>
    %add3A_231 = arith.addi %broadcast_in_dim3A_222, %select_n3A_230 : vector<16xi32>
    %ge3A_232 = arith.constant 507904 : i32
    %ge3A_233 = vector.broadcast %ge3A_232 : i32 to vector<16xi32>
    %ge3A_234 = arith.cmpi sge, %get3A_220, %ge3A_233 : vector<16xi32>
    %jit3A_235 = arith.constant 1 : i32
    %jit3A_236 = arith.constant 0 : i32
    %broadcast_in_dim3A_237 = vector.broadcast %jit3A_235 : i32 to vector<16xi32>
    %broadcast_in_dim3A_238 = vector.broadcast %jit3A_236 : i32 to vector<16xi32>
    %select_n3A_239 = arith.select %ge3A_234, %broadcast_in_dim3A_237, %broadcast_in_dim3A_238 : vector<16xi1>, vector<16xi32>
    %add3A_240 = arith.addi %add3A_231, %select_n3A_239 : vector<16xi32>
    %ge3A_241 = arith.constant 761856 : i32
    %ge3A_242 = vector.broadcast %ge3A_241 : i32 to vector<16xi32>
    %ge3A_243 = arith.cmpi sge, %get3A_220, %ge3A_242 : vector<16xi32>
    %jit3A_244 = arith.constant 1 : i32
    %jit3A_245 = arith.constant 0 : i32
    %broadcast_in_dim3A_246 = vector.broadcast %jit3A_244 : i32 to vector<16xi32>
    %broadcast_in_dim3A_247 = vector.broadcast %jit3A_245 : i32 to vector<16xi32>
    %select_n3A_248 = arith.select %ge3A_243, %broadcast_in_dim3A_246, %broadcast_in_dim3A_247 : vector<16xi1>, vector<16xi32>
    %add3A_249 = arith.addi %add3A_240, %select_n3A_248 : vector<16xi32>
    %mul3A_250 = arith.constant 253952 : i32
    %mul3A_251 = vector.broadcast %mul3A_250 : i32 to vector<16xi32>
    %mul3A_252 = arith.muli %add3A_249, %mul3A_251 : vector<16xi32>
    %sub3A_253 = arith.subi %get3A_220, %mul3A_252 : vector<16xi32>
    %swap3A_254 = arith.constant 0 : i32
    %swap3A_255 = arith.index_cast %swap3A_254 : i32 to index
    %swap3A_256 = arith.constant 80 : index
    %swap3A_257 = tpu.vector_load %arg6[%swap3A_255, %swap3A_256] {strides = array<i32>} : memref<4x128xi32, #tpu.memory_space<vmem>>, vector<1x16xi32>,
    %swap3A_258 = vector.shape_cast %swap3A_257 : vector<1x16xi32> to vector<16xi32>
    %swap3A_259 = vector.shape_cast %sub3A_253 : vector<16xi32> to vector<1x16xi32>
    tpu.vector_store %arg6[%swap3A_255, %swap3A_256], %swap3A_259 {strides = array<i32>} : memref<4x128xi32, #tpu.memory_space<vmem>>, vector<1x16xi32>,
    %get3A_260 = arith.constant 0 : i32
    %get3A_261 = arith.index_cast %get3A_260 : i32 to index
    %get3A_262 = arith.constant 96 : index
    %get3A_263 = tpu.vector_load %arg5[%get3A_261, %get3A_262] {strides = array<i32>} : memref<4x128xi32, #tpu.memory_space<vmem>>, vector<1x16xi32>,
    %get3A_264 = vector.shape_cast %get3A_263 : vector<1x16xi32> to vector<16xi32>
    %broadcast_in_dim3A_265 = arith.constant 0 : i32
    %broadcast_in_dim3A_266 = vector.broadcast %broadcast_in_dim3A_265 : i32 to vector<16xi32>
    %ge3A_267 = arith.constant 253952 : i32
    %ge3A_268 = vector.broadcast %ge3A_267 : i32 to vector<16xi32>
    %ge3A_269 = arith.cmpi sge, %get3A_264, %ge3A_268 : vector<16xi32>
    %jit3A_270 = arith.constant 1 : i32
    %jit3A_271 = arith.constant 0 : i32
    %broadcast_in_dim3A_272 = vector.broadcast %jit3A_270 : i32 to vector<16xi32>
    %broadcast_in_dim3A_273 = vector.broadcast %jit3A_271 : i32 to vector<16xi32>
    %select_n3A_274 = arith.select %ge3A_269, %broadcast_in_dim3A_272, %broadcast_in_dim3A_273 : vector<16xi1>, vector<16xi32>
    %add3A_275 = arith.addi %broadcast_in_dim3A_266, %select_n3A_274 : vector<16xi32>
    %ge3A_276 = arith.constant 507904 : i32
    %ge3A_277 = vector.broadcast %ge3A_276 : i32 to vector<16xi32>
    %ge3A_278 = arith.cmpi sge, %get3A_264, %ge3A_277 : vector<16xi32>
    %jit3A_279 = arith.constant 1 : i32
    %jit3A_280 = arith.constant 0 : i32
    %broadcast_in_dim3A_281 = vector.broadcast %jit3A_279 : i32 to vector<16xi32>
    %broadcast_in_dim3A_282 = vector.broadcast %jit3A_280 : i32 to vector<16xi32>
    %select_n3A_283 = arith.select %ge3A_278, %broadcast_in_dim3A_281, %broadcast_in_dim3A_282 : vector<16xi1>, vector<16xi32>
    %add3A_284 = arith.addi %add3A_275, %select_n3A_283 : vector<16xi32>
    %ge3A_285 = arith.constant 761856 : i32
    %ge3A_286 = vector.broadcast %ge3A_285 : i32 to vector<16xi32>
    %ge3A_287 = arith.cmpi sge, %get3A_264, %ge3A_286 : vector<16xi32>
    %jit3A_288 = arith.constant 1 : i32
    %jit3A_289 = arith.constant 0 : i32
    %broadcast_in_dim3A_290 = vector.broadcast %jit3A_288 : i32 to vector<16xi32>
    %broadcast_in_dim3A_291 = vector.broadcast %jit3A_289 : i32 to vector<16xi32>
    %select_n3A_292 = arith.select %ge3A_287, %broadcast_in_dim3A_290, %broadcast_in_dim3A_291 : vector<16xi1>, vector<16xi32>
    %add3A_293 = arith.addi %add3A_284, %select_n3A_292 : vector<16xi32>
    %mul3A_294 = arith.constant 253952 : i32
    %mul3A_295 = vector.broadcast %mul3A_294 : i32 to vector<16xi32>
    %mul3A_296 = arith.muli %add3A_293, %mul3A_295 : vector<16xi32>
    %sub3A_297 = arith.subi %get3A_264, %mul3A_296 : vector<16xi32>
    %swap3A_298 = arith.constant 0 : i32
    %swap3A_299 = arith.index_cast %swap3A_298 : i32 to index
    %swap3A_300 = arith.constant 96 : index
    %swap3A_301 = tpu.vector_load %arg6[%swap3A_299, %swap3A_300] {strides = array<i32>} : memref<4x128xi32, #tpu.memory_space<vmem>>, vector<1x16xi32>,
    %swap3A_302 = vector.shape_cast %swap3A_301 : vector<1x16xi32> to vector<16xi32>
    %swap3A_303 = vector.shape_cast %sub3A_297 : vector<16xi32> to vector<1x16xi32>
    tpu.vector_store %arg6[%swap3A_299, %swap3A_300], %swap3A_303 {strides = array<i32>} : memref<4x128xi32, #tpu.memory_space<vmem>>, vector<1x16xi32>,
    %get3A_304 = arith.constant 0 : i32
    %get3A_305 = arith.index_cast %get3A_304 : i32 to index
    %get3A_306 = arith.constant 112 : index
    %get3A_307 = tpu.vector_load %arg5[%get3A_305, %get3A_306] {strides = array<i32>} : memref<4x128xi32, #tpu.memory_space<vmem>>, vector<1x16xi32>,
    %get3A_308 = vector.shape_cast %get3A_307 : vector<1x16xi32> to vector<16xi32>
    %broadcast_in_dim3A_309 = arith.constant 0 : i32
    %broadcast_in_dim3A_310 = vector.broadcast %broadcast_in_dim3A_309 : i32 to vector<16xi32>
    %ge3A_311 = arith.constant 253952 : i32
    %ge3A_312 = vector.broadcast %ge3A_311 : i32 to vector<16xi32>
    %ge3A_313 = arith.cmpi sge, %get3A_308, %ge3A_312 : vector<16xi32>
    %jit3A_314 = arith.constant 1 : i32
    %jit3A_315 = arith.constant 0 : i32
    %broadcast_in_dim3A_316 = vector.broadcast %jit3A_314 : i32 to vector<16xi32>
    %broadcast_in_dim3A_317 = vector.broadcast %jit3A_315 : i32 to vector<16xi32>
    %select_n3A_318 = arith.select %ge3A_313, %broadcast_in_dim3A_316, %broadcast_in_dim3A_317 : vector<16xi1>, vector<16xi32>
    %add3A_319 = arith.addi %broadcast_in_dim3A_310, %select_n3A_318 : vector<16xi32>
    %ge3A_320 = arith.constant 507904 : i32
    %ge3A_321 = vector.broadcast %ge3A_320 : i32 to vector<16xi32>
    %ge3A_322 = arith.cmpi sge, %get3A_308, %ge3A_321 : vector<16xi32>
    %jit3A_323 = arith.constant 1 : i32
    %jit3A_324 = arith.constant 0 : i32
    %broadcast_in_dim3A_325 = vector.broadcast %jit3A_323 : i32 to vector<16xi32>
    %broadcast_in_dim3A_326 = vector.broadcast %jit3A_324 : i32 to vector<16xi32>
    %select_n3A_327 = arith.select %ge3A_322, %broadcast_in_dim3A_325, %broadcast_in_dim3A_326 : vector<16xi1>, vector<16xi32>
    %add3A_328 = arith.addi %add3A_319, %select_n3A_327 : vector<16xi32>
    %ge3A_329 = arith.constant 761856 : i32
    %ge3A_330 = vector.broadcast %ge3A_329 : i32 to vector<16xi32>
    %ge3A_331 = arith.cmpi sge, %get3A_308, %ge3A_330 : vector<16xi32>
    %jit3A_332 = arith.constant 1 : i32
    %jit3A_333 = arith.constant 0 : i32
    %broadcast_in_dim3A_334 = vector.broadcast %jit3A_332 : i32 to vector<16xi32>
    %broadcast_in_dim3A_335 = vector.broadcast %jit3A_333 : i32 to vector<16xi32>
    %select_n3A_336 = arith.select %ge3A_331, %broadcast_in_dim3A_334, %broadcast_in_dim3A_335 : vector<16xi1>, vector<16xi32>
    %add3A_337 = arith.addi %add3A_328, %select_n3A_336 : vector<16xi32>
    %mul3A_338 = arith.constant 253952 : i32
    %mul3A_339 = vector.broadcast %mul3A_338 : i32 to vector<16xi32>
    %mul3A_340 = arith.muli %add3A_337, %mul3A_339 : vector<16xi32>
    %sub3A_341 = arith.subi %get3A_308, %mul3A_340 : vector<16xi32>
    %swap3A_342 = arith.constant 0 : i32
    %swap3A_343 = arith.index_cast %swap3A_342 : i32 to index
    %swap3A_344 = arith.constant 112 : index
    %swap3A_345 = tpu.vector_load %arg6[%swap3A_343, %swap3A_344] {strides = array<i32>} : memref<4x128xi32, #tpu.memory_space<vmem>>, vector<1x16xi32>,
    %swap3A_346 = vector.shape_cast %swap3A_345 : vector<1x16xi32> to vector<16xi32>
    %swap3A_347 = vector.shape_cast %sub3A_341 : vector<16xi32> to vector<1x16xi32>
    tpu.vector_store %arg6[%swap3A_343, %swap3A_344], %swap3A_347 {strides = array<i32>} : memref<4x128xi32, #tpu.memory_space<vmem>>, vector<1x16xi32>,
    %get3A_348 = arith.constant 1 : i32
    %get3A_349 = arith.index_cast %get3A_348 : i32 to index
    %get3A_350 = arith.constant 0 : index
    %get3A_351 = tpu.vector_load %arg5[%get3A_349, %get3A_350] {strides = array<i32>} : memref<4x128xi32, #tpu.memory_space<vmem>>, vector<1x16xi32>,
    %get3A_352 = vector.shape_cast %get3A_351 : vector<1x16xi32> to vector<16xi32>
    %broadcast_in_dim3A_353 = arith.constant 0 : i32
    %broadcast_in_dim3A_354 = vector.broadcast %broadcast_in_dim3A_353 : i32 to vector<16xi32>
    %ge3A_355 = arith.constant 253952 : i32
    %ge3A_356 = vector.broadcast %ge3A_355 : i32 to vector<16xi32>
    %ge3A_357 = arith.cmpi sge, %get3A_352, %ge3A_356 : vector<16xi32>
    %jit3A_358 = arith.constant 1 : i32
    %jit3A_359 = arith.constant 0 : i32
    %broadcast_in_dim3A_360 = vector.broadcast %jit3A_358 : i32 to vector<16xi32>
    %broadcast_in_dim3A_361 = vector.broadcast %jit3A_359 : i32 to vector<16xi32>
    %select_n3A_362 = arith.select %ge3A_357, %broadcast_in_dim3A_360, %broadcast_in_dim3A_361 : vector<16xi1>, vector<16xi32>
    %add3A_363 = arith.addi %broadcast_in_dim3A_354, %select_n3A_362 : vector<16xi32>
    %ge3A_364 = arith.constant 507904 : i32
    %ge3A_365 = vector.broadcast %ge3A_364 : i32 to vector<16xi32>
    %ge3A_366 = arith.cmpi sge, %get3A_352, %ge3A_365 : vector<16xi32>
    %jit3A_367 = arith.constant 1 : i32
    %jit3A_368 = arith.constant 0 : i32
    %broadcast_in_dim3A_369 = vector.broadcast %jit3A_367 : i32 to vector<16xi32>
    %broadcast_in_dim3A_370 = vector.broadcast %jit3A_368 : i32 to vector<16xi32>
    %select_n3A_371 = arith.select %ge3A_366, %broadcast_in_dim3A_369, %broadcast_in_dim3A_370 : vector<16xi1>, vector<16xi32>
    %add3A_372 = arith.addi %add3A_363, %select_n3A_371 : vector<16xi32>
    %ge3A_373 = arith.constant 761856 : i32
    %ge3A_374 = vector.broadcast %ge3A_373 : i32 to vector<16xi32>
    %ge3A_375 = arith.cmpi sge, %get3A_352, %ge3A_374 : vector<16xi32>
    %jit3A_376 = arith.constant 1 : i32
    %jit3A_377 = arith.constant 0 : i32
    %broadcast_in_dim3A_378 = vector.broadcast %jit3A_376 : i32 to vector<16xi32>
    %broadcast_in_dim3A_379 = vector.broadcast %jit3A_377 : i32 to vector<16xi32>
    %select_n3A_380 = arith.select %ge3A_375, %broadcast_in_dim3A_378, %broadcast_in_dim3A_379 : vector<16xi1>, vector<16xi32>
    %add3A_381 = arith.addi %add3A_372, %select_n3A_380 : vector<16xi32>
    %mul3A_382 = arith.constant 253952 : i32
    %mul3A_383 = vector.broadcast %mul3A_382 : i32 to vector<16xi32>
    %mul3A_384 = arith.muli %add3A_381, %mul3A_383 : vector<16xi32>
    %sub3A_385 = arith.subi %get3A_352, %mul3A_384 : vector<16xi32>
    %swap3A_386 = arith.constant 1 : i32
    %swap3A_387 = arith.index_cast %swap3A_386 : i32 to index
    %swap3A_388 = arith.constant 0 : index
    %swap3A_389 = tpu.vector_load %arg6[%swap3A_387, %swap3A_388] {strides = array<i32>} : memref<4x128xi32, #tpu.memory_space<vmem>>, vector<1x16xi32>,
    %swap3A_390 = vector.shape_cast %swap3A_389 : vector<1x16xi32> to vector<16xi32>
    %swap3A_391 = vector.shape_cast %sub3A_385 : vector<16xi32> to vector<1x16xi32>
    tpu.vector_store %arg6[%swap3A_387, %swap3A_388], %swap3A_391 {strides = array<i32>} : memref<4x128xi32, #tpu.memory_space<vmem>>, vector<1x16xi32>,
    %get3A_392 = arith.constant 1 : i32
    %get3A_393 = arith.index_cast %get3A_392 : i32 to index
    %get3A_394 = arith.constant 16 : index
    %get3A_395 = tpu.vector_load %arg5[%get3A_393, %get3A_394] {strides = array<i32>} : memref<4x128xi32, #tpu.memory_space<vmem>>, vector<1x16xi32>,
    %get3A_396 = vector.shape_cast %get3A_395 : vector<1x16xi32> to vector<16xi32>
    %broadcast_in_dim3A_397 = arith.constant 0 : i32
    %broadcast_in_dim3A_398 = vector.broadcast %broadcast_in_dim3A_397 : i32 to vector<16xi32>
    %ge3A_399 = arith.constant 253952 : i32
    %ge3A_400 = vector.broadcast %ge3A_399 : i32 to vector<16xi32>
    %ge3A_401 = arith.cmpi sge, %get3A_396, %ge3A_400 : vector<16xi32>
    %jit3A_402 = arith.constant 1 : i32
    %jit3A_403 = arith.constant 0 : i32
    %broadcast_in_dim3A_404 = vector.broadcast %jit3A_402 : i32 to vector<16xi32>
    %broadcast_in_dim3A_405 = vector.broadcast %jit3A_403 : i32 to vector<16xi32>
    %select_n3A_406 = arith.select %ge3A_401, %broadcast_in_dim3A_404, %broadcast_in_dim3A_405 : vector<16xi1>, vector<16xi32>
    %add3A_407 = arith.addi %broadcast_in_dim3A_398, %select_n3A_406 : vector<16xi32>
    %ge3A_408 = arith.constant 507904 : i32
    %ge3A_409 = vector.broadcast %ge3A_408 : i32 to vector<16xi32>
    %ge3A_410 = arith.cmpi sge, %get3A_396, %ge3A_409 : vector<16xi32>
    %jit3A_411 = arith.constant 1 : i32
    %jit3A_412 = arith.constant 0 : i32
    %broadcast_in_dim3A_413 = vector.broadcast %jit3A_411 : i32 to vector<16xi32>
    %broadcast_in_dim3A_414 = vector.broadcast %jit3A_412 : i32 to vector<16xi32>
    %select_n3A_415 = arith.select %ge3A_410, %broadcast_in_dim3A_413, %broadcast_in_dim3A_414 : vector<16xi1>, vector<16xi32>
    %add3A_416 = arith.addi %add3A_407, %select_n3A_415 : vector<16xi32>
    %ge3A_417 = arith.constant 761856 : i32
    %ge3A_418 = vector.broadcast %ge3A_417 : i32 to vector<16xi32>
    %ge3A_419 = arith.cmpi sge, %get3A_396, %ge3A_418 : vector<16xi32>
    %jit3A_420 = arith.constant 1 : i32
    %jit3A_421 = arith.constant 0 : i32
    %broadcast_in_dim3A_422 = vector.broadcast %jit3A_420 : i32 to vector<16xi32>
    %broadcast_in_dim3A_423 = vector.broadcast %jit3A_421 : i32 to vector<16xi32>
    %select_n3A_424 = arith.select %ge3A_419, %broadcast_in_dim3A_422, %broadcast_in_dim3A_423 : vector<16xi1>, vector<16xi32>
    %add3A_425 = arith.addi %add3A_416, %select_n3A_424 : vector<16xi32>
    %mul3A_426 = arith.constant 253952 : i32
    %mul3A_427 = vector.broadcast %mul3A_426 : i32 to vector<16xi32>
    %mul3A_428 = arith.muli %add3A_425, %mul3A_427 : vector<16xi32>
    %sub3A_429 = arith.subi %get3A_396, %mul3A_428 : vector<16xi32>
    %swap3A_430 = arith.constant 1 : i32
    %swap3A_431 = arith.index_cast %swap3A_430 : i32 to index
    %swap3A_432 = arith.constant 16 : index
    %swap3A_433 = tpu.vector_load %arg6[%swap3A_431, %swap3A_432] {strides = array<i32>} : memref<4x128xi32, #tpu.memory_space<vmem>>, vector<1x16xi32>,
    %swap3A_434 = vector.shape_cast %swap3A_433 : vector<1x16xi32> to vector<16xi32>
    %swap3A_435 = vector.shape_cast %sub3A_429 : vector<16xi32> to vector<1x16xi32>
    tpu.vector_store %arg6[%swap3A_431, %swap3A_432], %swap3A_435 {strides = array<i32>} : memref<4x128xi32, #tpu.memory_space<vmem>>, vector<1x16xi32>,
    %get3A_436 = arith.constant 1 : i32
    %get3A_437 = arith.index_cast %get3A_436 : i32 to index
    %get3A_438 = arith.constant 32 : index
    %get3A_439 = tpu.vector_load %arg5[%get3A_437, %get3A_438] {strides = array<i32>} : memref<4x128xi32, #tpu.memory_space<vmem>>, vector<1x16xi32>,
    %get3A_440 = vector.shape_cast %get3A_439 : vector<1x16xi32> to vector<16xi32>
    %broadcast_in_dim3A_441 = arith.constant 0 : i32
    %broadcast_in_dim3A_442 = vector.broadcast %broadcast_in_dim3A_441 : i32 to vector<16xi32>
    %ge3A_443 = arith.constant 253952 : i32
    %ge3A_444 = vector.broadcast %ge3A_443 : i32 to vector<16xi32>
    %ge3A_445 = arith.cmpi sge, %get3A_440, %ge3A_444 : vector<16xi32>
    %jit3A_446 = arith.constant 1 : i32
    %jit3A_447 = arith.constant 0 : i32
    %broadcast_in_dim3A_448 = vector.broadcast %jit3A_446 : i32 to vector<16xi32>
    %broadcast_in_dim3A_449 = vector.broadcast %jit3A_447 : i32 to vector<16xi32>
    %select_n3A_450 = arith.select %ge3A_445, %broadcast_in_dim3A_448, %broadcast_in_dim3A_449 : vector<16xi1>, vector<16xi32>
    %add3A_451 = arith.addi %broadcast_in_dim3A_442, %select_n3A_450 : vector<16xi32>
    %ge3A_452 = arith.constant 507904 : i32
    %ge3A_453 = vector.broadcast %ge3A_452 : i32 to vector<16xi32>
    %ge3A_454 = arith.cmpi sge, %get3A_440, %ge3A_453 : vector<16xi32>
    %jit3A_455 = arith.constant 1 : i32
    %jit3A_456 = arith.constant 0 : i32
    %broadcast_in_dim3A_457 = vector.broadcast %jit3A_455 : i32 to vector<16xi32>
    %broadcast_in_dim3A_458 = vector.broadcast %jit3A_456 : i32 to vector<16xi32>
    %select_n3A_459 = arith.select %ge3A_454, %broadcast_in_dim3A_457, %broadcast_in_dim3A_458 : vector<16xi1>, vector<16xi32>
    %add3A_460 = arith.addi %add3A_451, %select_n3A_459 : vector<16xi32>
    %ge3A_461 = arith.constant 761856 : i32
    %ge3A_462 = vector.broadcast %ge3A_461 : i32 to vector<16xi32>
    %ge3A_463 = arith.cmpi sge, %get3A_440, %ge3A_462 : vector<16xi32>
    %jit3A_464 = arith.constant 1 : i32
    %jit3A_465 = arith.constant 0 : i32
    %broadcast_in_dim3A_466 = vector.broadcast %jit3A_464 : i32 to vector<16xi32>
    %broadcast_in_dim3A_467 = vector.broadcast %jit3A_465 : i32 to vector<16xi32>
    %select_n3A_468 = arith.select %ge3A_463, %broadcast_in_dim3A_466, %broadcast_in_dim3A_467 : vector<16xi1>, vector<16xi32>
    %add3A_469 = arith.addi %add3A_460, %select_n3A_468 : vector<16xi32>
    %mul3A_470 = arith.constant 253952 : i32
    %mul3A_471 = vector.broadcast %mul3A_470 : i32 to vector<16xi32>
    %mul3A_472 = arith.muli %add3A_469, %mul3A_471 : vector<16xi32>
    %sub3A_473 = arith.subi %get3A_440, %mul3A_472 : vector<16xi32>
    %swap3A_474 = arith.constant 1 : i32
    %swap3A_475 = arith.index_cast %swap3A_474 : i32 to index
    %swap3A_476 = arith.constant 32 : index
    %swap3A_477 = tpu.vector_load %arg6[%swap3A_475, %swap3A_476] {strides = array<i32>} : memref<4x128xi32, #tpu.memory_space<vmem>>, vector<1x16xi32>,
    %swap3A_478 = vector.shape_cast %swap3A_477 : vector<1x16xi32> to vector<16xi32>
    %swap3A_479 = vector.shape_cast %sub3A_473 : vector<16xi32> to vector<1x16xi32>
    tpu.vector_store %arg6[%swap3A_475, %swap3A_476], %swap3A_479 {strides = array<i32>} : memref<4x128xi32, #tpu.memory_space<vmem>>, vector<1x16xi32>,
    %get3A_480 = arith.constant 1 : i32
    %get3A_481 = arith.index_cast %get3A_480 : i32 to index
    %get3A_482 = arith.constant 48 : index
    %get3A_483 = tpu.vector_load %arg5[%get3A_481, %get3A_482] {strides = array<i32>} : memref<4x128xi32, #tpu.memory_space<vmem>>, vector<1x16xi32>,
    %get3A_484 = vector.shape_cast %get3A_483 : vector<1x16xi32> to vector<16xi32>
    %broadcast_in_dim3A_485 = arith.constant 0 : i32
    %broadcast_in_dim3A_486 = vector.broadcast %broadcast_in_dim3A_485 : i32 to vector<16xi32>
    %ge3A_487 = arith.constant 253952 : i32
    %ge3A_488 = vector.broadcast %ge3A_487 : i32 to vector<16xi32>
    %ge3A_489 = arith.cmpi sge, %get3A_484, %ge3A_488 : vector<16xi32>
    %jit3A_490 = arith.constant 1 : i32
    %jit3A_491 = arith.constant 0 : i32
    %broadcast_in_dim3A_492 = vector.broadcast %jit3A_490 : i32 to vector<16xi32>
    %broadcast_in_dim3A_493 = vector.broadcast %jit3A_491 : i32 to vector<16xi32>
    %select_n3A_494 = arith.select %ge3A_489, %broadcast_in_dim3A_492, %broadcast_in_dim3A_493 : vector<16xi1>, vector<16xi32>
    %add3A_495 = arith.addi %broadcast_in_dim3A_486, %select_n3A_494 : vector<16xi32>
    %ge3A_496 = arith.constant 507904 : i32
    %ge3A_497 = vector.broadcast %ge3A_496 : i32 to vector<16xi32>
    %ge3A_498 = arith.cmpi sge, %get3A_484, %ge3A_497 : vector<16xi32>
    %jit3A_499 = arith.constant 1 : i32
    %jit3A_500 = arith.constant 0 : i32
    %broadcast_in_dim3A_501 = vector.broadcast %jit3A_499 : i32 to vector<16xi32>
    %broadcast_in_dim3A_502 = vector.broadcast %jit3A_500 : i32 to vector<16xi32>
    %select_n3A_503 = arith.select %ge3A_498, %broadcast_in_dim3A_501, %broadcast_in_dim3A_502 : vector<16xi1>, vector<16xi32>
    %add3A_504 = arith.addi %add3A_495, %select_n3A_503 : vector<16xi32>
    %ge3A_505 = arith.constant 761856 : i32
    %ge3A_506 = vector.broadcast %ge3A_505 : i32 to vector<16xi32>
    %ge3A_507 = arith.cmpi sge, %get3A_484, %ge3A_506 : vector<16xi32>
    %jit3A_508 = arith.constant 1 : i32
    %jit3A_509 = arith.constant 0 : i32
    %broadcast_in_dim3A_510 = vector.broadcast %jit3A_508 : i32 to vector<16xi32>
    %broadcast_in_dim3A_511 = vector.broadcast %jit3A_509 : i32 to vector<16xi32>
    %select_n3A_512 = arith.select %ge3A_507, %broadcast_in_dim3A_510, %broadcast_in_dim3A_511 : vector<16xi1>, vector<16xi32>
    %add3A_513 = arith.addi %add3A_504, %select_n3A_512 : vector<16xi32>
    %mul3A_514 = arith.constant 253952 : i32
    %mul3A_515 = vector.broadcast %mul3A_514 : i32 to vector<16xi32>
    %mul3A_516 = arith.muli %add3A_513, %mul3A_515 : vector<16xi32>
    %sub3A_517 = arith.subi %get3A_484, %mul3A_516 : vector<16xi32>
    %swap3A_518 = arith.constant 1 : i32
    %swap3A_519 = arith.index_cast %swap3A_518 : i32 to index
    %swap3A_520 = arith.constant 48 : index
    %swap3A_521 = tpu.vector_load %arg6[%swap3A_519, %swap3A_520] {strides = array<i32>} : memref<4x128xi32, #tpu.memory_space<vmem>>, vector<1x16xi32>,
    %swap3A_522 = vector.shape_cast %swap3A_521 : vector<1x16xi32> to vector<16xi32>
    %swap3A_523 = vector.shape_cast %sub3A_517 : vector<16xi32> to vector<1x16xi32>
    tpu.vector_store %arg6[%swap3A_519, %swap3A_520], %swap3A_523 {strides = array<i32>} : memref<4x128xi32, #tpu.memory_space<vmem>>, vector<1x16xi32>,
    %get3A_524 = arith.constant 1 : i32
    %get3A_525 = arith.index_cast %get3A_524 : i32 to index
    %get3A_526 = arith.constant 64 : index
    %get3A_527 = tpu.vector_load %arg5[%get3A_525, %get3A_526] {strides = array<i32>} : memref<4x128xi32, #tpu.memory_space<vmem>>, vector<1x16xi32>,
    %get3A_528 = vector.shape_cast %get3A_527 : vector<1x16xi32> to vector<16xi32>
    %broadcast_in_dim3A_529 = arith.constant 0 : i32
    %broadcast_in_dim3A_530 = vector.broadcast %broadcast_in_dim3A_529 : i32 to vector<16xi32>
    %ge3A_531 = arith.constant 253952 : i32
    %ge3A_532 = vector.broadcast %ge3A_531 : i32 to vector<16xi32>
    %ge3A_533 = arith.cmpi sge, %get3A_528, %ge3A_532 : vector<16xi32>
    %jit3A_534 = arith.constant 1 : i32
    %jit3A_535 = arith.constant 0 : i32
    %broadcast_in_dim3A_536 = vector.broadcast %jit3A_534 : i32 to vector<16xi32>
    %broadcast_in_dim3A_537 = vector.broadcast %jit3A_535 : i32 to vector<16xi32>
    %select_n3A_538 = arith.select %ge3A_533, %broadcast_in_dim3A_536, %broadcast_in_dim3A_537 : vector<16xi1>, vector<16xi32>
    %add3A_539 = arith.addi %broadcast_in_dim3A_530, %select_n3A_538 : vector<16xi32>
    %ge3A_540 = arith.constant 507904 : i32
    %ge3A_541 = vector.broadcast %ge3A_540 : i32 to vector<16xi32>
    %ge3A_542 = arith.cmpi sge, %get3A_528, %ge3A_541 : vector<16xi32>
    %jit3A_543 = arith.constant 1 : i32
    %jit3A_544 = arith.constant 0 : i32
    %broadcast_in_dim3A_545 = vector.broadcast %jit3A_543 : i32 to vector<16xi32>
    %broadcast_in_dim3A_546 = vector.broadcast %jit3A_544 : i32 to vector<16xi32>
    %select_n3A_547 = arith.select %ge3A_542, %broadcast_in_dim3A_545, %broadcast_in_dim3A_546 : vector<16xi1>, vector<16xi32>
    %add3A_548 = arith.addi %add3A_539, %select_n3A_547 : vector<16xi32>
    %ge3A_549 = arith.constant 761856 : i32
    %ge3A_550 = vector.broadcast %ge3A_549 : i32 to vector<16xi32>
    %ge3A_551 = arith.cmpi sge, %get3A_528, %ge3A_550 : vector<16xi32>
    %jit3A_552 = arith.constant 1 : i32
    %jit3A_553 = arith.constant 0 : i32
    %broadcast_in_dim3A_554 = vector.broadcast %jit3A_552 : i32 to vector<16xi32>
    %broadcast_in_dim3A_555 = vector.broadcast %jit3A_553 : i32 to vector<16xi32>
    %select_n3A_556 = arith.select %ge3A_551, %broadcast_in_dim3A_554, %broadcast_in_dim3A_555 : vector<16xi1>, vector<16xi32>
    %add3A_557 = arith.addi %add3A_548, %select_n3A_556 : vector<16xi32>
    %mul3A_558 = arith.constant 253952 : i32
    %mul3A_559 = vector.broadcast %mul3A_558 : i32 to vector<16xi32>
    %mul3A_560 = arith.muli %add3A_557, %mul3A_559 : vector<16xi32>
    %sub3A_561 = arith.subi %get3A_528, %mul3A_560 : vector<16xi32>
    %swap3A_562 = arith.constant 1 : i32
    %swap3A_563 = arith.index_cast %swap3A_562 : i32 to index
    %swap3A_564 = arith.constant 64 : index
    %swap3A_565 = tpu.vector_load %arg6[%swap3A_563, %swap3A_564] {strides = array<i32>} : memref<4x128xi32, #tpu.memory_space<vmem>>, vector<1x16xi32>,
    %swap3A_566 = vector.shape_cast %swap3A_565 : vector<1x16xi32> to vector<16xi32>
    %swap3A_567 = vector.shape_cast %sub3A_561 : vector<16xi32> to vector<1x16xi32>
    tpu.vector_store %arg6[%swap3A_563, %swap3A_564], %swap3A_567 {strides = array<i32>} : memref<4x128xi32, #tpu.memory_space<vmem>>, vector<1x16xi32>,
    %get3A_568 = arith.constant 1 : i32
    %get3A_569 = arith.index_cast %get3A_568 : i32 to index
    %get3A_570 = arith.constant 80 : index
    %get3A_571 = tpu.vector_load %arg5[%get3A_569, %get3A_570] {strides = array<i32>} : memref<4x128xi32, #tpu.memory_space<vmem>>, vector<1x16xi32>,
    %get3A_572 = vector.shape_cast %get3A_571 : vector<1x16xi32> to vector<16xi32>
    %broadcast_in_dim3A_573 = arith.constant 0 : i32
    %broadcast_in_dim3A_574 = vector.broadcast %broadcast_in_dim3A_573 : i32 to vector<16xi32>
    %ge3A_575 = arith.constant 253952 : i32
    %ge3A_576 = vector.broadcast %ge3A_575 : i32 to vector<16xi32>
    %ge3A_577 = arith.cmpi sge, %get3A_572, %ge3A_576 : vector<16xi32>
    %jit3A_578 = arith.constant 1 : i32
    %jit3A_579 = arith.constant 0 : i32
    %broadcast_in_dim3A_580 = vector.broadcast %jit3A_578 : i32 to vector<16xi32>
    %broadcast_in_dim3A_581 = vector.broadcast %jit3A_579 : i32 to vector<16xi32>
    %select_n3A_582 = arith.select %ge3A_577, %broadcast_in_dim3A_580, %broadcast_in_dim3A_581 : vector<16xi1>, vector<16xi32>
    %add3A_583 = arith.addi %broadcast_in_dim3A_574, %select_n3A_582 : vector<16xi32>
    %ge3A_584 = arith.constant 507904 : i32
    %ge3A_585 = vector.broadcast %ge3A_584 : i32 to vector<16xi32>
    %ge3A_586 = arith.cmpi sge, %get3A_572, %ge3A_585 : vector<16xi32>
    %jit3A_587 = arith.constant 1 : i32
    %jit3A_588 = arith.constant 0 : i32
    %broadcast_in_dim3A_589 = vector.broadcast %jit3A_587 : i32 to vector<16xi32>
    %broadcast_in_dim3A_590 = vector.broadcast %jit3A_588 : i32 to vector<16xi32>
    %select_n3A_591 = arith.select %ge3A_586, %broadcast_in_dim3A_589, %broadcast_in_dim3A_590 : vector<16xi1>, vector<16xi32>
    %add3A_592 = arith.addi %add3A_583, %select_n3A_591 : vector<16xi32>
    %ge3A_593 = arith.constant 761856 : i32
    %ge3A_594 = vector.broadcast %ge3A_593 : i32 to vector<16xi32>
    %ge3A_595 = arith.cmpi sge, %get3A_572, %ge3A_594 : vector<16xi32>
    %jit3A_596 = arith.constant 1 : i32
    %jit3A_597 = arith.constant 0 : i32
    %broadcast_in_dim3A_598 = vector.broadcast %jit3A_596 : i32 to vector<16xi32>
    %broadcast_in_dim3A_599 = vector.broadcast %jit3A_597 : i32 to vector<16xi32>
    %select_n3A_600 = arith.select %ge3A_595, %broadcast_in_dim3A_598, %broadcast_in_dim3A_599 : vector<16xi1>, vector<16xi32>
    %add3A_601 = arith.addi %add3A_592, %select_n3A_600 : vector<16xi32>
    %mul3A_602 = arith.constant 253952 : i32
    %mul3A_603 = vector.broadcast %mul3A_602 : i32 to vector<16xi32>
    %mul3A_604 = arith.muli %add3A_601, %mul3A_603 : vector<16xi32>
    %sub3A_605 = arith.subi %get3A_572, %mul3A_604 : vector<16xi32>
    %swap3A_606 = arith.constant 1 : i32
    %swap3A_607 = arith.index_cast %swap3A_606 : i32 to index
    %swap3A_608 = arith.constant 80 : index
    %swap3A_609 = tpu.vector_load %arg6[%swap3A_607, %swap3A_608] {strides = array<i32>} : memref<4x128xi32, #tpu.memory_space<vmem>>, vector<1x16xi32>,
    %swap3A_610 = vector.shape_cast %swap3A_609 : vector<1x16xi32> to vector<16xi32>
    %swap3A_611 = vector.shape_cast %sub3A_605 : vector<16xi32> to vector<1x16xi32>
    tpu.vector_store %arg6[%swap3A_607, %swap3A_608], %swap3A_611 {strides = array<i32>} : memref<4x128xi32, #tpu.memory_space<vmem>>, vector<1x16xi32>,
    %get3A_612 = arith.constant 1 : i32
    %get3A_613 = arith.index_cast %get3A_612 : i32 to index
    %get3A_614 = arith.constant 96 : index
    %get3A_615 = tpu.vector_load %arg5[%get3A_613, %get3A_614] {strides = array<i32>} : memref<4x128xi32, #tpu.memory_space<vmem>>, vector<1x16xi32>,
    %get3A_616 = vector.shape_cast %get3A_615 : vector<1x16xi32> to vector<16xi32>
    %broadcast_in_dim3A_617 = arith.constant 0 : i32
    %broadcast_in_dim3A_618 = vector.broadcast %broadcast_in_dim3A_617 : i32 to vector<16xi32>
    %ge3A_619 = arith.constant 253952 : i32
    %ge3A_620 = vector.broadcast %ge3A_619 : i32 to vector<16xi32>
    %ge3A_621 = arith.cmpi sge, %get3A_616, %ge3A_620 : vector<16xi32>
    %jit3A_622 = arith.constant 1 : i32
    %jit3A_623 = arith.constant 0 : i32
    %broadcast_in_dim3A_624 = vector.broadcast %jit3A_622 : i32 to vector<16xi32>
    %broadcast_in_dim3A_625 = vector.broadcast %jit3A_623 : i32 to vector<16xi32>
    %select_n3A_626 = arith.select %ge3A_621, %broadcast_in_dim3A_624, %broadcast_in_dim3A_625 : vector<16xi1>, vector<16xi32>
    %add3A_627 = arith.addi %broadcast_in_dim3A_618, %select_n3A_626 : vector<16xi32>
    %ge3A_628 = arith.constant 507904 : i32
    %ge3A_629 = vector.broadcast %ge3A_628 : i32 to vector<16xi32>
    %ge3A_630 = arith.cmpi sge, %get3A_616, %ge3A_629 : vector<16xi32>
    %jit3A_631 = arith.constant 1 : i32
    %jit3A_632 = arith.constant 0 : i32
    %broadcast_in_dim3A_633 = vector.broadcast %jit3A_631 : i32 to vector<16xi32>
    %broadcast_in_dim3A_634 = vector.broadcast %jit3A_632 : i32 to vector<16xi32>
    %select_n3A_635 = arith.select %ge3A_630, %broadcast_in_dim3A_633, %broadcast_in_dim3A_634 : vector<16xi1>, vector<16xi32>
    %add3A_636 = arith.addi %add3A_627, %select_n3A_635 : vector<16xi32>
    %ge3A_637 = arith.constant 761856 : i32
    %ge3A_638 = vector.broadcast %ge3A_637 : i32 to vector<16xi32>
    %ge3A_639 = arith.cmpi sge, %get3A_616, %ge3A_638 : vector<16xi32>
    %jit3A_640 = arith.constant 1 : i32
    %jit3A_641 = arith.constant 0 : i32
    %broadcast_in_dim3A_642 = vector.broadcast %jit3A_640 : i32 to vector<16xi32>
    %broadcast_in_dim3A_643 = vector.broadcast %jit3A_641 : i32 to vector<16xi32>
    %select_n3A_644 = arith.select %ge3A_639, %broadcast_in_dim3A_642, %broadcast_in_dim3A_643 : vector<16xi1>, vector<16xi32>
    %add3A_645 = arith.addi %add3A_636, %select_n3A_644 : vector<16xi32>
    %mul3A_646 = arith.constant 253952 : i32
    %mul3A_647 = vector.broadcast %mul3A_646 : i32 to vector<16xi32>
    %mul3A_648 = arith.muli %add3A_645, %mul3A_647 : vector<16xi32>
    %sub3A_649 = arith.subi %get3A_616, %mul3A_648 : vector<16xi32>
    %swap3A_650 = arith.constant 1 : i32
    %swap3A_651 = arith.index_cast %swap3A_650 : i32 to index
    %swap3A_652 = arith.constant 96 : index
    %swap3A_653 = tpu.vector_load %arg6[%swap3A_651, %swap3A_652] {strides = array<i32>} : memref<4x128xi32, #tpu.memory_space<vmem>>, vector<1x16xi32>,
    %swap3A_654 = vector.shape_cast %swap3A_653 : vector<1x16xi32> to vector<16xi32>
    %swap3A_655 = vector.shape_cast %sub3A_649 : vector<16xi32> to vector<1x16xi32>
    tpu.vector_store %arg6[%swap3A_651, %swap3A_652], %swap3A_655 {strides = array<i32>} : memref<4x128xi32, #tpu.memory_space<vmem>>, vector<1x16xi32>,
    %get3A_656 = arith.constant 1 : i32
    %get3A_657 = arith.index_cast %get3A_656 : i32 to index
    %get3A_658 = arith.constant 112 : index
    %get3A_659 = tpu.vector_load %arg5[%get3A_657, %get3A_658] {strides = array<i32>} : memref<4x128xi32, #tpu.memory_space<vmem>>, vector<1x16xi32>,
    %get3A_660 = vector.shape_cast %get3A_659 : vector<1x16xi32> to vector<16xi32>
    %broadcast_in_dim3A_661 = arith.constant 0 : i32
    %broadcast_in_dim3A_662 = vector.broadcast %broadcast_in_dim3A_661 : i32 to vector<16xi32>
    %ge3A_663 = arith.constant 253952 : i32
    %ge3A_664 = vector.broadcast %ge3A_663 : i32 to vector<16xi32>
    %ge3A_665 = arith.cmpi sge, %get3A_660, %ge3A_664 : vector<16xi32>
    %jit3A_666 = arith.constant 1 : i32
    %jit3A_667 = arith.constant 0 : i32
    %broadcast_in_dim3A_668 = vector.broadcast %jit3A_666 : i32 to vector<16xi32>
    %broadcast_in_dim3A_669 = vector.broadcast %jit3A_667 : i32 to vector<16xi32>
    %select_n3A_670 = arith.select %ge3A_665, %broadcast_in_dim3A_668, %broadcast_in_dim3A_669 : vector<16xi1>, vector<16xi32>
    %add3A_671 = arith.addi %broadcast_in_dim3A_662, %select_n3A_670 : vector<16xi32>
    %ge3A_672 = arith.constant 507904 : i32
    %ge3A_673 = vector.broadcast %ge3A_672 : i32 to vector<16xi32>
    %ge3A_674 = arith.cmpi sge, %get3A_660, %ge3A_673 : vector<16xi32>
    %jit3A_675 = arith.constant 1 : i32
    %jit3A_676 = arith.constant 0 : i32
    %broadcast_in_dim3A_677 = vector.broadcast %jit3A_675 : i32 to vector<16xi32>
    %broadcast_in_dim3A_678 = vector.broadcast %jit3A_676 : i32 to vector<16xi32>
    %select_n3A_679 = arith.select %ge3A_674, %broadcast_in_dim3A_677, %broadcast_in_dim3A_678 : vector<16xi1>, vector<16xi32>
    %add3A_680 = arith.addi %add3A_671, %select_n3A_679 : vector<16xi32>
    %ge3A_681 = arith.constant 761856 : i32
    %ge3A_682 = vector.broadcast %ge3A_681 : i32 to vector<16xi32>
    %ge3A_683 = arith.cmpi sge, %get3A_660, %ge3A_682 : vector<16xi32>
    %jit3A_684 = arith.constant 1 : i32
    %jit3A_685 = arith.constant 0 : i32
    %broadcast_in_dim3A_686 = vector.broadcast %jit3A_684 : i32 to vector<16xi32>
    %broadcast_in_dim3A_687 = vector.broadcast %jit3A_685 : i32 to vector<16xi32>
    %select_n3A_688 = arith.select %ge3A_683, %broadcast_in_dim3A_686, %broadcast_in_dim3A_687 : vector<16xi1>, vector<16xi32>
    %add3A_689 = arith.addi %add3A_680, %select_n3A_688 : vector<16xi32>
    %mul3A_690 = arith.constant 253952 : i32
    %mul3A_691 = vector.broadcast %mul3A_690 : i32 to vector<16xi32>
    %mul3A_692 = arith.muli %add3A_689, %mul3A_691 : vector<16xi32>
    %sub3A_693 = arith.subi %get3A_660, %mul3A_692 : vector<16xi32>
    %swap3A_694 = arith.constant 1 : i32
    %swap3A_695 = arith.index_cast %swap3A_694 : i32 to index
    %swap3A_696 = arith.constant 112 : index
    %swap3A_697 = tpu.vector_load %arg6[%swap3A_695, %swap3A_696] {strides = array<i32>} : memref<4x128xi32, #tpu.memory_space<vmem>>, vector<1x16xi32>,
    %swap3A_698 = vector.shape_cast %swap3A_697 : vector<1x16xi32> to vector<16xi32>
    %swap3A_699 = vector.shape_cast %sub3A_693 : vector<16xi32> to vector<1x16xi32>
    tpu.vector_store %arg6[%swap3A_695, %swap3A_696], %swap3A_699 {strides = array<i32>} : memref<4x128xi32, #tpu.memory_space<vmem>>, vector<1x16xi32>,
    %get3A_700 = arith.constant 2 : i32
    %get3A_701 = arith.index_cast %get3A_700 : i32 to index
    %get3A_702 = arith.constant 0 : index
    %get3A_703 = tpu.vector_load %arg5[%get3A_701, %get3A_702] {strides = array<i32>} : memref<4x128xi32, #tpu.memory_space<vmem>>, vector<1x16xi32>,
    %get3A_704 = vector.shape_cast %get3A_703 : vector<1x16xi32> to vector<16xi32>
    %broadcast_in_dim3A_705 = arith.constant 0 : i32
    %broadcast_in_dim3A_706 = vector.broadcast %broadcast_in_dim3A_705 : i32 to vector<16xi32>
    %ge3A_707 = arith.constant 253952 : i32
    %ge3A_708 = vector.broadcast %ge3A_707 : i32 to vector<16xi32>
    %ge3A_709 = arith.cmpi sge, %get3A_704, %ge3A_708 : vector<16xi32>
    %jit3A_710 = arith.constant 1 : i32
    %jit3A_711 = arith.constant 0 : i32
    %broadcast_in_dim3A_712 = vector.broadcast %jit3A_710 : i32 to vector<16xi32>
    %broadcast_in_dim3A_713 = vector.broadcast %jit3A_711 : i32 to vector<16xi32>
    %select_n3A_714 = arith.select %ge3A_709, %broadcast_in_dim3A_712, %broadcast_in_dim3A_713 : vector<16xi1>, vector<16xi32>
    %add3A_715 = arith.addi %broadcast_in_dim3A_706, %select_n3A_714 : vector<16xi32>
    %ge3A_716 = arith.constant 507904 : i32
    %ge3A_717 = vector.broadcast %ge3A_716 : i32 to vector<16xi32>
    %ge3A_718 = arith.cmpi sge, %get3A_704, %ge3A_717 : vector<16xi32>
    %jit3A_719 = arith.constant 1 : i32
    %jit3A_720 = arith.constant 0 : i32
    %broadcast_in_dim3A_721 = vector.broadcast %jit3A_719 : i32 to vector<16xi32>
    %broadcast_in_dim3A_722 = vector.broadcast %jit3A_720 : i32 to vector<16xi32>
    %select_n3A_723 = arith.select %ge3A_718, %broadcast_in_dim3A_721, %broadcast_in_dim3A_722 : vector<16xi1>, vector<16xi32>
    %add3A_724 = arith.addi %add3A_715, %select_n3A_723 : vector<16xi32>
    %ge3A_725 = arith.constant 761856 : i32
    %ge3A_726 = vector.broadcast %ge3A_725 : i32 to vector<16xi32>
    %ge3A_727 = arith.cmpi sge, %get3A_704, %ge3A_726 : vector<16xi32>
    %jit3A_728 = arith.constant 1 : i32
    %jit3A_729 = arith.constant 0 : i32
    %broadcast_in_dim3A_730 = vector.broadcast %jit3A_728 : i32 to vector<16xi32>
    %broadcast_in_dim3A_731 = vector.broadcast %jit3A_729 : i32 to vector<16xi32>
    %select_n3A_732 = arith.select %ge3A_727, %broadcast_in_dim3A_730, %broadcast_in_dim3A_731 : vector<16xi1>, vector<16xi32>
    %add3A_733 = arith.addi %add3A_724, %select_n3A_732 : vector<16xi32>
    %mul3A_734 = arith.constant 253952 : i32
    %mul3A_735 = vector.broadcast %mul3A_734 : i32 to vector<16xi32>
    %mul3A_736 = arith.muli %add3A_733, %mul3A_735 : vector<16xi32>
    %sub3A_737 = arith.subi %get3A_704, %mul3A_736 : vector<16xi32>
    %swap3A_738 = arith.constant 2 : i32
    %swap3A_739 = arith.index_cast %swap3A_738 : i32 to index
    %swap3A_740 = arith.constant 0 : index
    %swap3A_741 = tpu.vector_load %arg6[%swap3A_739, %swap3A_740] {strides = array<i32>} : memref<4x128xi32, #tpu.memory_space<vmem>>, vector<1x16xi32>,
    %swap3A_742 = vector.shape_cast %swap3A_741 : vector<1x16xi32> to vector<16xi32>
    %swap3A_743 = vector.shape_cast %sub3A_737 : vector<16xi32> to vector<1x16xi32>
    tpu.vector_store %arg6[%swap3A_739, %swap3A_740], %swap3A_743 {strides = array<i32>} : memref<4x128xi32, #tpu.memory_space<vmem>>, vector<1x16xi32>,
    %get3A_744 = arith.constant 2 : i32
    %get3A_745 = arith.index_cast %get3A_744 : i32 to index
    %get3A_746 = arith.constant 16 : index
    %get3A_747 = tpu.vector_load %arg5[%get3A_745, %get3A_746] {strides = array<i32>} : memref<4x128xi32, #tpu.memory_space<vmem>>, vector<1x16xi32>,
    %get3A_748 = vector.shape_cast %get3A_747 : vector<1x16xi32> to vector<16xi32>
    %broadcast_in_dim3A_749 = arith.constant 0 : i32
    %broadcast_in_dim3A_750 = vector.broadcast %broadcast_in_dim3A_749 : i32 to vector<16xi32>
    %ge3A_751 = arith.constant 253952 : i32
    %ge3A_752 = vector.broadcast %ge3A_751 : i32 to vector<16xi32>
    %ge3A_753 = arith.cmpi sge, %get3A_748, %ge3A_752 : vector<16xi32>
    %jit3A_754 = arith.constant 1 : i32
    %jit3A_755 = arith.constant 0 : i32
    %broadcast_in_dim3A_756 = vector.broadcast %jit3A_754 : i32 to vector<16xi32>
    %broadcast_in_dim3A_757 = vector.broadcast %jit3A_755 : i32 to vector<16xi32>
    %select_n3A_758 = arith.select %ge3A_753, %broadcast_in_dim3A_756, %broadcast_in_dim3A_757 : vector<16xi1>, vector<16xi32>
    %add3A_759 = arith.addi %broadcast_in_dim3A_750, %select_n3A_758 : vector<16xi32>
    %ge3A_760 = arith.constant 507904 : i32
    %ge3A_761 = vector.broadcast %ge3A_760 : i32 to vector<16xi32>
    %ge3A_762 = arith.cmpi sge, %get3A_748, %ge3A_761 : vector<16xi32>
    %jit3A_763 = arith.constant 1 : i32
    %jit3A_764 = arith.constant 0 : i32
    %broadcast_in_dim3A_765 = vector.broadcast %jit3A_763 : i32 to vector<16xi32>
    %broadcast_in_dim3A_766 = vector.broadcast %jit3A_764 : i32 to vector<16xi32>
    %select_n3A_767 = arith.select %ge3A_762, %broadcast_in_dim3A_765, %broadcast_in_dim3A_766 : vector<16xi1>, vector<16xi32>
    %add3A_768 = arith.addi %add3A_759, %select_n3A_767 : vector<16xi32>
    %ge3A_769 = arith.constant 761856 : i32
    %ge3A_770 = vector.broadcast %ge3A_769 : i32 to vector<16xi32>
    %ge3A_771 = arith.cmpi sge, %get3A_748, %ge3A_770 : vector<16xi32>
    %jit3A_772 = arith.constant 1 : i32
    %jit3A_773 = arith.constant 0 : i32
    %broadcast_in_dim3A_774 = vector.broadcast %jit3A_772 : i32 to vector<16xi32>
    %broadcast_in_dim3A_775 = vector.broadcast %jit3A_773 : i32 to vector<16xi32>
    %select_n3A_776 = arith.select %ge3A_771, %broadcast_in_dim3A_774, %broadcast_in_dim3A_775 : vector<16xi1>, vector<16xi32>
    %add3A_777 = arith.addi %add3A_768, %select_n3A_776 : vector<16xi32>
    %mul3A_778 = arith.constant 253952 : i32
    %mul3A_779 = vector.broadcast %mul3A_778 : i32 to vector<16xi32>
    %mul3A_780 = arith.muli %add3A_777, %mul3A_779 : vector<16xi32>
    %sub3A_781 = arith.subi %get3A_748, %mul3A_780 : vector<16xi32>
    %swap3A_782 = arith.constant 2 : i32
    %swap3A_783 = arith.index_cast %swap3A_782 : i32 to index
    %swap3A_784 = arith.constant 16 : index
    %swap3A_785 = tpu.vector_load %arg6[%swap3A_783, %swap3A_784] {strides = array<i32>} : memref<4x128xi32, #tpu.memory_space<vmem>>, vector<1x16xi32>,
    %swap3A_786 = vector.shape_cast %swap3A_785 : vector<1x16xi32> to vector<16xi32>
    %swap3A_787 = vector.shape_cast %sub3A_781 : vector<16xi32> to vector<1x16xi32>
    tpu.vector_store %arg6[%swap3A_783, %swap3A_784], %swap3A_787 {strides = array<i32>} : memref<4x128xi32, #tpu.memory_space<vmem>>, vector<1x16xi32>,
    %get3A_788 = arith.constant 2 : i32
    %get3A_789 = arith.index_cast %get3A_788 : i32 to index
    %get3A_790 = arith.constant 32 : index
    %get3A_791 = tpu.vector_load %arg5[%get3A_789, %get3A_790] {strides = array<i32>} : memref<4x128xi32, #tpu.memory_space<vmem>>, vector<1x16xi32>,
    %get3A_792 = vector.shape_cast %get3A_791 : vector<1x16xi32> to vector<16xi32>
    %broadcast_in_dim3A_793 = arith.constant 0 : i32
    %broadcast_in_dim3A_794 = vector.broadcast %broadcast_in_dim3A_793 : i32 to vector<16xi32>
    %ge3A_795 = arith.constant 253952 : i32
    %ge3A_796 = vector.broadcast %ge3A_795 : i32 to vector<16xi32>
    %ge3A_797 = arith.cmpi sge, %get3A_792, %ge3A_796 : vector<16xi32>
    %jit3A_798 = arith.constant 1 : i32
    %jit3A_799 = arith.constant 0 : i32
    %broadcast_in_dim3A_800 = vector.broadcast %jit3A_798 : i32 to vector<16xi32>
    %broadcast_in_dim3A_801 = vector.broadcast %jit3A_799 : i32 to vector<16xi32>
    %select_n3A_802 = arith.select %ge3A_797, %broadcast_in_dim3A_800, %broadcast_in_dim3A_801 : vector<16xi1>, vector<16xi32>
    %add3A_803 = arith.addi %broadcast_in_dim3A_794, %select_n3A_802 : vector<16xi32>
    %ge3A_804 = arith.constant 507904 : i32
    %ge3A_805 = vector.broadcast %ge3A_804 : i32 to vector<16xi32>
    %ge3A_806 = arith.cmpi sge, %get3A_792, %ge3A_805 : vector<16xi32>
    %jit3A_807 = arith.constant 1 : i32
    %jit3A_808 = arith.constant 0 : i32
    %broadcast_in_dim3A_809 = vector.broadcast %jit3A_807 : i32 to vector<16xi32>
    %broadcast_in_dim3A_810 = vector.broadcast %jit3A_808 : i32 to vector<16xi32>
    %select_n3A_811 = arith.select %ge3A_806, %broadcast_in_dim3A_809, %broadcast_in_dim3A_810 : vector<16xi1>, vector<16xi32>
    %add3A_812 = arith.addi %add3A_803, %select_n3A_811 : vector<16xi32>
    %ge3A_813 = arith.constant 761856 : i32
    %ge3A_814 = vector.broadcast %ge3A_813 : i32 to vector<16xi32>
    %ge3A_815 = arith.cmpi sge, %get3A_792, %ge3A_814 : vector<16xi32>
    %jit3A_816 = arith.constant 1 : i32
    %jit3A_817 = arith.constant 0 : i32
    %broadcast_in_dim3A_818 = vector.broadcast %jit3A_816 : i32 to vector<16xi32>
    %broadcast_in_dim3A_819 = vector.broadcast %jit3A_817 : i32 to vector<16xi32>
    %select_n3A_820 = arith.select %ge3A_815, %broadcast_in_dim3A_818, %broadcast_in_dim3A_819 : vector<16xi1>, vector<16xi32>
    %add3A_821 = arith.addi %add3A_812, %select_n3A_820 : vector<16xi32>
    %mul3A_822 = arith.constant 253952 : i32
    %mul3A_823 = vector.broadcast %mul3A_822 : i32 to vector<16xi32>
    %mul3A_824 = arith.muli %add3A_821, %mul3A_823 : vector<16xi32>
    %sub3A_825 = arith.subi %get3A_792, %mul3A_824 : vector<16xi32>
    %swap3A_826 = arith.constant 2 : i32
    %swap3A_827 = arith.index_cast %swap3A_826 : i32 to index
    %swap3A_828 = arith.constant 32 : index
    %swap3A_829 = tpu.vector_load %arg6[%swap3A_827, %swap3A_828] {strides = array<i32>} : memref<4x128xi32, #tpu.memory_space<vmem>>, vector<1x16xi32>,
    %swap3A_830 = vector.shape_cast %swap3A_829 : vector<1x16xi32> to vector<16xi32>
    %swap3A_831 = vector.shape_cast %sub3A_825 : vector<16xi32> to vector<1x16xi32>
    tpu.vector_store %arg6[%swap3A_827, %swap3A_828], %swap3A_831 {strides = array<i32>} : memref<4x128xi32, #tpu.memory_space<vmem>>, vector<1x16xi32>,
    %get3A_832 = arith.constant 2 : i32
    %get3A_833 = arith.index_cast %get3A_832 : i32 to index
    %get3A_834 = arith.constant 48 : index
    %get3A_835 = tpu.vector_load %arg5[%get3A_833, %get3A_834] {strides = array<i32>} : memref<4x128xi32, #tpu.memory_space<vmem>>, vector<1x16xi32>,
    %get3A_836 = vector.shape_cast %get3A_835 : vector<1x16xi32> to vector<16xi32>
    %broadcast_in_dim3A_837 = arith.constant 0 : i32
    %broadcast_in_dim3A_838 = vector.broadcast %broadcast_in_dim3A_837 : i32 to vector<16xi32>
    %ge3A_839 = arith.constant 253952 : i32
    %ge3A_840 = vector.broadcast %ge3A_839 : i32 to vector<16xi32>
    %ge3A_841 = arith.cmpi sge, %get3A_836, %ge3A_840 : vector<16xi32>
    %jit3A_842 = arith.constant 1 : i32
    %jit3A_843 = arith.constant 0 : i32
    %broadcast_in_dim3A_844 = vector.broadcast %jit3A_842 : i32 to vector<16xi32>
    %broadcast_in_dim3A_845 = vector.broadcast %jit3A_843 : i32 to vector<16xi32>
    %select_n3A_846 = arith.select %ge3A_841, %broadcast_in_dim3A_844, %broadcast_in_dim3A_845 : vector<16xi1>, vector<16xi32>
    %add3A_847 = arith.addi %broadcast_in_dim3A_838, %select_n3A_846 : vector<16xi32>
    %ge3A_848 = arith.constant 507904 : i32
    %ge3A_849 = vector.broadcast %ge3A_848 : i32 to vector<16xi32>
    %ge3A_850 = arith.cmpi sge, %get3A_836, %ge3A_849 : vector<16xi32>
    %jit3A_851 = arith.constant 1 : i32
    %jit3A_852 = arith.constant 0 : i32
    %broadcast_in_dim3A_853 = vector.broadcast %jit3A_851 : i32 to vector<16xi32>
    %broadcast_in_dim3A_854 = vector.broadcast %jit3A_852 : i32 to vector<16xi32>
    %select_n3A_855 = arith.select %ge3A_850, %broadcast_in_dim3A_853, %broadcast_in_dim3A_854 : vector<16xi1>, vector<16xi32>
    %add3A_856 = arith.addi %add3A_847, %select_n3A_855 : vector<16xi32>
    %ge3A_857 = arith.constant 761856 : i32
    %ge3A_858 = vector.broadcast %ge3A_857 : i32 to vector<16xi32>
    %ge3A_859 = arith.cmpi sge, %get3A_836, %ge3A_858 : vector<16xi32>
    %jit3A_860 = arith.constant 1 : i32
    %jit3A_861 = arith.constant 0 : i32
    %broadcast_in_dim3A_862 = vector.broadcast %jit3A_860 : i32 to vector<16xi32>
    %broadcast_in_dim3A_863 = vector.broadcast %jit3A_861 : i32 to vector<16xi32>
    %select_n3A_864 = arith.select %ge3A_859, %broadcast_in_dim3A_862, %broadcast_in_dim3A_863 : vector<16xi1>, vector<16xi32>
    %add3A_865 = arith.addi %add3A_856, %select_n3A_864 : vector<16xi32>
    %mul3A_866 = arith.constant 253952 : i32
    %mul3A_867 = vector.broadcast %mul3A_866 : i32 to vector<16xi32>
    %mul3A_868 = arith.muli %add3A_865, %mul3A_867 : vector<16xi32>
    %sub3A_869 = arith.subi %get3A_836, %mul3A_868 : vector<16xi32>
    %swap3A_870 = arith.constant 2 : i32
    %swap3A_871 = arith.index_cast %swap3A_870 : i32 to index
    %swap3A_872 = arith.constant 48 : index
    %swap3A_873 = tpu.vector_load %arg6[%swap3A_871, %swap3A_872] {strides = array<i32>} : memref<4x128xi32, #tpu.memory_space<vmem>>, vector<1x16xi32>,
    %swap3A_874 = vector.shape_cast %swap3A_873 : vector<1x16xi32> to vector<16xi32>
    %swap3A_875 = vector.shape_cast %sub3A_869 : vector<16xi32> to vector<1x16xi32>
    tpu.vector_store %arg6[%swap3A_871, %swap3A_872], %swap3A_875 {strides = array<i32>} : memref<4x128xi32, #tpu.memory_space<vmem>>, vector<1x16xi32>,
    %get3A_876 = arith.constant 2 : i32
    %get3A_877 = arith.index_cast %get3A_876 : i32 to index
    %get3A_878 = arith.constant 64 : index
    %get3A_879 = tpu.vector_load %arg5[%get3A_877, %get3A_878] {strides = array<i32>} : memref<4x128xi32, #tpu.memory_space<vmem>>, vector<1x16xi32>,
    %get3A_880 = vector.shape_cast %get3A_879 : vector<1x16xi32> to vector<16xi32>
    %broadcast_in_dim3A_881 = arith.constant 0 : i32
    %broadcast_in_dim3A_882 = vector.broadcast %broadcast_in_dim3A_881 : i32 to vector<16xi32>
    %ge3A_883 = arith.constant 253952 : i32
    %ge3A_884 = vector.broadcast %ge3A_883 : i32 to vector<16xi32>
    %ge3A_885 = arith.cmpi sge, %get3A_880, %ge3A_884 : vector<16xi32>
    %jit3A_886 = arith.constant 1 : i32
    %jit3A_887 = arith.constant 0 : i32
    %broadcast_in_dim3A_888 = vector.broadcast %jit3A_886 : i32 to vector<16xi32>
    %broadcast_in_dim3A_889 = vector.broadcast %jit3A_887 : i32 to vector<16xi32>
    %select_n3A_890 = arith.select %ge3A_885, %broadcast_in_dim3A_888, %broadcast_in_dim3A_889 : vector<16xi1>, vector<16xi32>
    %add3A_891 = arith.addi %broadcast_in_dim3A_882, %select_n3A_890 : vector<16xi32>
    %ge3A_892 = arith.constant 507904 : i32
    %ge3A_893 = vector.broadcast %ge3A_892 : i32 to vector<16xi32>
    %ge3A_894 = arith.cmpi sge, %get3A_880, %ge3A_893 : vector<16xi32>
    %jit3A_895 = arith.constant 1 : i32
    %jit3A_896 = arith.constant 0 : i32
    %broadcast_in_dim3A_897 = vector.broadcast %jit3A_895 : i32 to vector<16xi32>
    %broadcast_in_dim3A_898 = vector.broadcast %jit3A_896 : i32 to vector<16xi32>
    %select_n3A_899 = arith.select %ge3A_894, %broadcast_in_dim3A_897, %broadcast_in_dim3A_898 : vector<16xi1>, vector<16xi32>
    %add3A_900 = arith.addi %add3A_891, %select_n3A_899 : vector<16xi32>
    %ge3A_901 = arith.constant 761856 : i32
    %ge3A_902 = vector.broadcast %ge3A_901 : i32 to vector<16xi32>
    %ge3A_903 = arith.cmpi sge, %get3A_880, %ge3A_902 : vector<16xi32>
    %jit3A_904 = arith.constant 1 : i32
    %jit3A_905 = arith.constant 0 : i32
    %broadcast_in_dim3A_906 = vector.broadcast %jit3A_904 : i32 to vector<16xi32>
    %broadcast_in_dim3A_907 = vector.broadcast %jit3A_905 : i32 to vector<16xi32>
    %select_n3A_908 = arith.select %ge3A_903, %broadcast_in_dim3A_906, %broadcast_in_dim3A_907 : vector<16xi1>, vector<16xi32>
    %add3A_909 = arith.addi %add3A_900, %select_n3A_908 : vector<16xi32>
    %mul3A_910 = arith.constant 253952 : i32
    %mul3A_911 = vector.broadcast %mul3A_910 : i32 to vector<16xi32>
    %mul3A_912 = arith.muli %add3A_909, %mul3A_911 : vector<16xi32>
    %sub3A_913 = arith.subi %get3A_880, %mul3A_912 : vector<16xi32>
    %swap3A_914 = arith.constant 2 : i32
    %swap3A_915 = arith.index_cast %swap3A_914 : i32 to index
    %swap3A_916 = arith.constant 64 : index
    %swap3A_917 = tpu.vector_load %arg6[%swap3A_915, %swap3A_916] {strides = array<i32>} : memref<4x128xi32, #tpu.memory_space<vmem>>, vector<1x16xi32>,
    %swap3A_918 = vector.shape_cast %swap3A_917 : vector<1x16xi32> to vector<16xi32>
    %swap3A_919 = vector.shape_cast %sub3A_913 : vector<16xi32> to vector<1x16xi32>
    tpu.vector_store %arg6[%swap3A_915, %swap3A_916], %swap3A_919 {strides = array<i32>} : memref<4x128xi32, #tpu.memory_space<vmem>>, vector<1x16xi32>,
    %get3A_920 = arith.constant 2 : i32
    %get3A_921 = arith.index_cast %get3A_920 : i32 to index
    %get3A_922 = arith.constant 80 : index
    %get3A_923 = tpu.vector_load %arg5[%get3A_921, %get3A_922] {strides = array<i32>} : memref<4x128xi32, #tpu.memory_space<vmem>>, vector<1x16xi32>,
    %get3A_924 = vector.shape_cast %get3A_923 : vector<1x16xi32> to vector<16xi32>
    %broadcast_in_dim3A_925 = arith.constant 0 : i32
    %broadcast_in_dim3A_926 = vector.broadcast %broadcast_in_dim3A_925 : i32 to vector<16xi32>
    %ge3A_927 = arith.constant 253952 : i32
    %ge3A_928 = vector.broadcast %ge3A_927 : i32 to vector<16xi32>
    %ge3A_929 = arith.cmpi sge, %get3A_924, %ge3A_928 : vector<16xi32>
    %jit3A_930 = arith.constant 1 : i32
    %jit3A_931 = arith.constant 0 : i32
    %broadcast_in_dim3A_932 = vector.broadcast %jit3A_930 : i32 to vector<16xi32>
    %broadcast_in_dim3A_933 = vector.broadcast %jit3A_931 : i32 to vector<16xi32>
    %select_n3A_934 = arith.select %ge3A_929, %broadcast_in_dim3A_932, %broadcast_in_dim3A_933 : vector<16xi1>, vector<16xi32>
    %add3A_935 = arith.addi %broadcast_in_dim3A_926, %select_n3A_934 : vector<16xi32>
    %ge3A_936 = arith.constant 507904 : i32
    %ge3A_937 = vector.broadcast %ge3A_936 : i32 to vector<16xi32>
    %ge3A_938 = arith.cmpi sge, %get3A_924, %ge3A_937 : vector<16xi32>
    %jit3A_939 = arith.constant 1 : i32
    %jit3A_940 = arith.constant 0 : i32
    %broadcast_in_dim3A_941 = vector.broadcast %jit3A_939 : i32 to vector<16xi32>
    %broadcast_in_dim3A_942 = vector.broadcast %jit3A_940 : i32 to vector<16xi32>
    %select_n3A_943 = arith.select %ge3A_938, %broadcast_in_dim3A_941, %broadcast_in_dim3A_942 : vector<16xi1>, vector<16xi32>
    %add3A_944 = arith.addi %add3A_935, %select_n3A_943 : vector<16xi32>
    %ge3A_945 = arith.constant 761856 : i32
    %ge3A_946 = vector.broadcast %ge3A_945 : i32 to vector<16xi32>
    %ge3A_947 = arith.cmpi sge, %get3A_924, %ge3A_946 : vector<16xi32>
    %jit3A_948 = arith.constant 1 : i32
    %jit3A_949 = arith.constant 0 : i32
    %broadcast_in_dim3A_950 = vector.broadcast %jit3A_948 : i32 to vector<16xi32>
    %broadcast_in_dim3A_951 = vector.broadcast %jit3A_949 : i32 to vector<16xi32>
    %select_n3A_952 = arith.select %ge3A_947, %broadcast_in_dim3A_950, %broadcast_in_dim3A_951 : vector<16xi1>, vector<16xi32>
    %add3A_953 = arith.addi %add3A_944, %select_n3A_952 : vector<16xi32>
    %mul3A_954 = arith.constant 253952 : i32
    %mul3A_955 = vector.broadcast %mul3A_954 : i32 to vector<16xi32>
    %mul3A_956 = arith.muli %add3A_953, %mul3A_955 : vector<16xi32>
    %sub3A_957 = arith.subi %get3A_924, %mul3A_956 : vector<16xi32>
    %swap3A_958 = arith.constant 2 : i32
    %swap3A_959 = arith.index_cast %swap3A_958 : i32 to index
    %swap3A_960 = arith.constant 80 : index
    %swap3A_961 = tpu.vector_load %arg6[%swap3A_959, %swap3A_960] {strides = array<i32>} : memref<4x128xi32, #tpu.memory_space<vmem>>, vector<1x16xi32>,
    %swap3A_962 = vector.shape_cast %swap3A_961 : vector<1x16xi32> to vector<16xi32>
    %swap3A_963 = vector.shape_cast %sub3A_957 : vector<16xi32> to vector<1x16xi32>
    tpu.vector_store %arg6[%swap3A_959, %swap3A_960], %swap3A_963 {strides = array<i32>} : memref<4x128xi32, #tpu.memory_space<vmem>>, vector<1x16xi32>,
    %get3A_964 = arith.constant 2 : i32
    %get3A_965 = arith.index_cast %get3A_964 : i32 to index
    %get3A_966 = arith.constant 96 : index
    %get3A_967 = tpu.vector_load %arg5[%get3A_965, %get3A_966] {strides = array<i32>} : memref<4x128xi32, #tpu.memory_space<vmem>>, vector<1x16xi32>,
    %get3A_968 = vector.shape_cast %get3A_967 : vector<1x16xi32> to vector<16xi32>
    %broadcast_in_dim3A_969 = arith.constant 0 : i32
    %broadcast_in_dim3A_970 = vector.broadcast %broadcast_in_dim3A_969 : i32 to vector<16xi32>
    %ge3A_971 = arith.constant 253952 : i32
    %ge3A_972 = vector.broadcast %ge3A_971 : i32 to vector<16xi32>
    %ge3A_973 = arith.cmpi sge, %get3A_968, %ge3A_972 : vector<16xi32>
    %jit3A_974 = arith.constant 1 : i32
    %jit3A_975 = arith.constant 0 : i32
    %broadcast_in_dim3A_976 = vector.broadcast %jit3A_974 : i32 to vector<16xi32>
    %broadcast_in_dim3A_977 = vector.broadcast %jit3A_975 : i32 to vector<16xi32>
    %select_n3A_978 = arith.select %ge3A_973, %broadcast_in_dim3A_976, %broadcast_in_dim3A_977 : vector<16xi1>, vector<16xi32>
    %add3A_979 = arith.addi %broadcast_in_dim3A_970, %select_n3A_978 : vector<16xi32>
    %ge3A_980 = arith.constant 507904 : i32
    %ge3A_981 = vector.broadcast %ge3A_980 : i32 to vector<16xi32>
    %ge3A_982 = arith.cmpi sge, %get3A_968, %ge3A_981 : vector<16xi32>
    %jit3A_983 = arith.constant 1 : i32
    %jit3A_984 = arith.constant 0 : i32
    %broadcast_in_dim3A_985 = vector.broadcast %jit3A_983 : i32 to vector<16xi32>
    %broadcast_in_dim3A_986 = vector.broadcast %jit3A_984 : i32 to vector<16xi32>
    %select_n3A_987 = arith.select %ge3A_982, %broadcast_in_dim3A_985, %broadcast_in_dim3A_986 : vector<16xi1>, vector<16xi32>
    %add3A_988 = arith.addi %add3A_979, %select_n3A_987 : vector<16xi32>
    %ge3A_989 = arith.constant 761856 : i32
    %ge3A_990 = vector.broadcast %ge3A_989 : i32 to vector<16xi32>
    %ge3A_991 = arith.cmpi sge, %get3A_968, %ge3A_990 : vector<16xi32>
    %jit3A_992 = arith.constant 1 : i32
    %jit3A_993 = arith.constant 0 : i32
    %broadcast_in_dim3A_994 = vector.broadcast %jit3A_992 : i32 to vector<16xi32>
    %broadcast_in_dim3A_995 = vector.broadcast %jit3A_993 : i32 to vector<16xi32>
    %select_n3A_996 = arith.select %ge3A_991, %broadcast_in_dim3A_994, %broadcast_in_dim3A_995 : vector<16xi1>, vector<16xi32>
    %add3A_997 = arith.addi %add3A_988, %select_n3A_996 : vector<16xi32>
    %mul3A_998 = arith.constant 253952 : i32
    %mul3A_999 = vector.broadcast %mul3A_998 : i32 to vector<16xi32>
    %mul3A_1000 = arith.muli %add3A_997, %mul3A_999 : vector<16xi32>
    %sub3A_1001 = arith.subi %get3A_968, %mul3A_1000 : vector<16xi32>
    %swap3A_1002 = arith.constant 2 : i32
    %swap3A_1003 = arith.index_cast %swap3A_1002 : i32 to index
    %swap3A_1004 = arith.constant 96 : index
    %swap3A_1005 = tpu.vector_load %arg6[%swap3A_1003, %swap3A_1004] {strides = array<i32>} : memref<4x128xi32, #tpu.memory_space<vmem>>, vector<1x16xi32>,
    %swap3A_1006 = vector.shape_cast %swap3A_1005 : vector<1x16xi32> to vector<16xi32>
    %swap3A_1007 = vector.shape_cast %sub3A_1001 : vector<16xi32> to vector<1x16xi32>
    tpu.vector_store %arg6[%swap3A_1003, %swap3A_1004], %swap3A_1007 {strides = array<i32>} : memref<4x128xi32, #tpu.memory_space<vmem>>, vector<1x16xi32>,
    %get3A_1008 = arith.constant 2 : i32
    %get3A_1009 = arith.index_cast %get3A_1008 : i32 to index
    %get3A_1010 = arith.constant 112 : index
    %get3A_1011 = tpu.vector_load %arg5[%get3A_1009, %get3A_1010] {strides = array<i32>} : memref<4x128xi32, #tpu.memory_space<vmem>>, vector<1x16xi32>,
    %get3A_1012 = vector.shape_cast %get3A_1011 : vector<1x16xi32> to vector<16xi32>
    %broadcast_in_dim3A_1013 = arith.constant 0 : i32
    %broadcast_in_dim3A_1014 = vector.broadcast %broadcast_in_dim3A_1013 : i32 to vector<16xi32>
    %ge3A_1015 = arith.constant 253952 : i32
    %ge3A_1016 = vector.broadcast %ge3A_1015 : i32 to vector<16xi32>
    %ge3A_1017 = arith.cmpi sge, %get3A_1012, %ge3A_1016 : vector<16xi32>
    %jit3A_1018 = arith.constant 1 : i32
    %jit3A_1019 = arith.constant 0 : i32
    %broadcast_in_dim3A_1020 = vector.broadcast %jit3A_1018 : i32 to vector<16xi32>
    %broadcast_in_dim3A_1021 = vector.broadcast %jit3A_1019 : i32 to vector<16xi32>
    %select_n3A_1022 = arith.select %ge3A_1017, %broadcast_in_dim3A_1020, %broadcast_in_dim3A_1021 : vector<16xi1>, vector<16xi32>
    %add3A_1023 = arith.addi %broadcast_in_dim3A_1014, %select_n3A_1022 : vector<16xi32>
    %ge3A_1024 = arith.constant 507904 : i32
    %ge3A_1025 = vector.broadcast %ge3A_1024 : i32 to vector<16xi32>
    %ge3A_1026 = arith.cmpi sge, %get3A_1012, %ge3A_1025 : vector<16xi32>
    %jit3A_1027 = arith.constant 1 : i32
    %jit3A_1028 = arith.constant 0 : i32
    %broadcast_in_dim3A_1029 = vector.broadcast %jit3A_1027 : i32 to vector<16xi32>
    %broadcast_in_dim3A_1030 = vector.broadcast %jit3A_1028 : i32 to vector<16xi32>
    %select_n3A_1031 = arith.select %ge3A_1026, %broadcast_in_dim3A_1029, %broadcast_in_dim3A_1030 : vector<16xi1>, vector<16xi32>
    %add3A_1032 = arith.addi %add3A_1023, %select_n3A_1031 : vector<16xi32>
    %ge3A_1033 = arith.constant 761856 : i32
    %ge3A_1034 = vector.broadcast %ge3A_1033 : i32 to vector<16xi32>
    %ge3A_1035 = arith.cmpi sge, %get3A_1012, %ge3A_1034 : vector<16xi32>
    %jit3A_1036 = arith.constant 1 : i32
    %jit3A_1037 = arith.constant 0 : i32
    %broadcast_in_dim3A_1038 = vector.broadcast %jit3A_1036 : i32 to vector<16xi32>
    %broadcast_in_dim3A_1039 = vector.broadcast %jit3A_1037 : i32 to vector<16xi32>
    %select_n3A_1040 = arith.select %ge3A_1035, %broadcast_in_dim3A_1038, %broadcast_in_dim3A_1039 : vector<16xi1>, vector<16xi32>
    %add3A_1041 = arith.addi %add3A_1032, %select_n3A_1040 : vector<16xi32>
    %mul3A_1042 = arith.constant 253952 : i32
    %mul3A_1043 = vector.broadcast %mul3A_1042 : i32 to vector<16xi32>
    %mul3A_1044 = arith.muli %add3A_1041, %mul3A_1043 : vector<16xi32>
    %sub3A_1045 = arith.subi %get3A_1012, %mul3A_1044 : vector<16xi32>
    %swap3A_1046 = arith.constant 2 : i32
    %swap3A_1047 = arith.index_cast %swap3A_1046 : i32 to index
    %swap3A_1048 = arith.constant 112 : index
    %swap3A_1049 = tpu.vector_load %arg6[%swap3A_1047, %swap3A_1048] {strides = array<i32>} : memref<4x128xi32, #tpu.memory_space<vmem>>, vector<1x16xi32>,
    %swap3A_1050 = vector.shape_cast %swap3A_1049 : vector<1x16xi32> to vector<16xi32>
    %swap3A_1051 = vector.shape_cast %sub3A_1045 : vector<16xi32> to vector<1x16xi32>
    tpu.vector_store %arg6[%swap3A_1047, %swap3A_1048], %swap3A_1051 {strides = array<i32>} : memref<4x128xi32, #tpu.memory_space<vmem>>, vector<1x16xi32>,
    %get3A_1052 = arith.constant 3 : i32
    %get3A_1053 = arith.index_cast %get3A_1052 : i32 to index
    %get3A_1054 = arith.constant 0 : index
    %get3A_1055 = tpu.vector_load %arg5[%get3A_1053, %get3A_1054] {strides = array<i32>} : memref<4x128xi32, #tpu.memory_space<vmem>>, vector<1x16xi32>,
    %get3A_1056 = vector.shape_cast %get3A_1055 : vector<1x16xi32> to vector<16xi32>
    %broadcast_in_dim3A_1057 = arith.constant 0 : i32
    %broadcast_in_dim3A_1058 = vector.broadcast %broadcast_in_dim3A_1057 : i32 to vector<16xi32>
    %ge3A_1059 = arith.constant 253952 : i32
    %ge3A_1060 = vector.broadcast %ge3A_1059 : i32 to vector<16xi32>
    %ge3A_1061 = arith.cmpi sge, %get3A_1056, %ge3A_1060 : vector<16xi32>
    %jit3A_1062 = arith.constant 1 : i32
    %jit3A_1063 = arith.constant 0 : i32
    %broadcast_in_dim3A_1064 = vector.broadcast %jit3A_1062 : i32 to vector<16xi32>
    %broadcast_in_dim3A_1065 = vector.broadcast %jit3A_1063 : i32 to vector<16xi32>
    %select_n3A_1066 = arith.select %ge3A_1061, %broadcast_in_dim3A_1064, %broadcast_in_dim3A_1065 : vector<16xi1>, vector<16xi32>
    %add3A_1067 = arith.addi %broadcast_in_dim3A_1058, %select_n3A_1066 : vector<16xi32>
    %ge3A_1068 = arith.constant 507904 : i32
    %ge3A_1069 = vector.broadcast %ge3A_1068 : i32 to vector<16xi32>
    %ge3A_1070 = arith.cmpi sge, %get3A_1056, %ge3A_1069 : vector<16xi32>
    %jit3A_1071 = arith.constant 1 : i32
    %jit3A_1072 = arith.constant 0 : i32
    %broadcast_in_dim3A_1073 = vector.broadcast %jit3A_1071 : i32 to vector<16xi32>
    %broadcast_in_dim3A_1074 = vector.broadcast %jit3A_1072 : i32 to vector<16xi32>
    %select_n3A_1075 = arith.select %ge3A_1070, %broadcast_in_dim3A_1073, %broadcast_in_dim3A_1074 : vector<16xi1>, vector<16xi32>
    %add3A_1076 = arith.addi %add3A_1067, %select_n3A_1075 : vector<16xi32>
    %ge3A_1077 = arith.constant 761856 : i32
    %ge3A_1078 = vector.broadcast %ge3A_1077 : i32 to vector<16xi32>
    %ge3A_1079 = arith.cmpi sge, %get3A_1056, %ge3A_1078 : vector<16xi32>
    %jit3A_1080 = arith.constant 1 : i32
    %jit3A_1081 = arith.constant 0 : i32
    %broadcast_in_dim3A_1082 = vector.broadcast %jit3A_1080 : i32 to vector<16xi32>
    %broadcast_in_dim3A_1083 = vector.broadcast %jit3A_1081 : i32 to vector<16xi32>
    %select_n3A_1084 = arith.select %ge3A_1079, %broadcast_in_dim3A_1082, %broadcast_in_dim3A_1083 : vector<16xi1>, vector<16xi32>
    %add3A_1085 = arith.addi %add3A_1076, %select_n3A_1084 : vector<16xi32>
    %mul3A_1086 = arith.constant 253952 : i32
    %mul3A_1087 = vector.broadcast %mul3A_1086 : i32 to vector<16xi32>
    %mul3A_1088 = arith.muli %add3A_1085, %mul3A_1087 : vector<16xi32>
    %sub3A_1089 = arith.subi %get3A_1056, %mul3A_1088 : vector<16xi32>
    %swap3A_1090 = arith.constant 3 : i32
    %swap3A_1091 = arith.index_cast %swap3A_1090 : i32 to index
    %swap3A_1092 = arith.constant 0 : index
    %swap3A_1093 = tpu.vector_load %arg6[%swap3A_1091, %swap3A_1092] {strides = array<i32>} : memref<4x128xi32, #tpu.memory_space<vmem>>, vector<1x16xi32>,
    %swap3A_1094 = vector.shape_cast %swap3A_1093 : vector<1x16xi32> to vector<16xi32>
    %swap3A_1095 = vector.shape_cast %sub3A_1089 : vector<16xi32> to vector<1x16xi32>
    tpu.vector_store %arg6[%swap3A_1091, %swap3A_1092], %swap3A_1095 {strides = array<i32>} : memref<4x128xi32, #tpu.memory_space<vmem>>, vector<1x16xi32>,
    %get3A_1096 = arith.constant 3 : i32
    %get3A_1097 = arith.index_cast %get3A_1096 : i32 to index
    %get3A_1098 = arith.constant 16 : index
    %get3A_1099 = tpu.vector_load %arg5[%get3A_1097, %get3A_1098] {strides = array<i32>} : memref<4x128xi32, #tpu.memory_space<vmem>>, vector<1x16xi32>,
    %get3A_1100 = vector.shape_cast %get3A_1099 : vector<1x16xi32> to vector<16xi32>
    %broadcast_in_dim3A_1101 = arith.constant 0 : i32
    %broadcast_in_dim3A_1102 = vector.broadcast %broadcast_in_dim3A_1101 : i32 to vector<16xi32>
    %ge3A_1103 = arith.constant 253952 : i32
    %ge3A_1104 = vector.broadcast %ge3A_1103 : i32 to vector<16xi32>
    %ge3A_1105 = arith.cmpi sge, %get3A_1100, %ge3A_1104 : vector<16xi32>
    %jit3A_1106 = arith.constant 1 : i32
    %jit3A_1107 = arith.constant 0 : i32
    %broadcast_in_dim3A_1108 = vector.broadcast %jit3A_1106 : i32 to vector<16xi32>
    %broadcast_in_dim3A_1109 = vector.broadcast %jit3A_1107 : i32 to vector<16xi32>
    %select_n3A_1110 = arith.select %ge3A_1105, %broadcast_in_dim3A_1108, %broadcast_in_dim3A_1109 : vector<16xi1>, vector<16xi32>
    %add3A_1111 = arith.addi %broadcast_in_dim3A_1102, %select_n3A_1110 : vector<16xi32>
    %ge3A_1112 = arith.constant 507904 : i32
    %ge3A_1113 = vector.broadcast %ge3A_1112 : i32 to vector<16xi32>
    %ge3A_1114 = arith.cmpi sge, %get3A_1100, %ge3A_1113 : vector<16xi32>
    %jit3A_1115 = arith.constant 1 : i32
    %jit3A_1116 = arith.constant 0 : i32
    %broadcast_in_dim3A_1117 = vector.broadcast %jit3A_1115 : i32 to vector<16xi32>
    %broadcast_in_dim3A_1118 = vector.broadcast %jit3A_1116 : i32 to vector<16xi32>
    %select_n3A_1119 = arith.select %ge3A_1114, %broadcast_in_dim3A_1117, %broadcast_in_dim3A_1118 : vector<16xi1>, vector<16xi32>
    %add3A_1120 = arith.addi %add3A_1111, %select_n3A_1119 : vector<16xi32>
    %ge3A_1121 = arith.constant 761856 : i32
    %ge3A_1122 = vector.broadcast %ge3A_1121 : i32 to vector<16xi32>
    %ge3A_1123 = arith.cmpi sge, %get3A_1100, %ge3A_1122 : vector<16xi32>
    %jit3A_1124 = arith.constant 1 : i32
    %jit3A_1125 = arith.constant 0 : i32
    %broadcast_in_dim3A_1126 = vector.broadcast %jit3A_1124 : i32 to vector<16xi32>
    %broadcast_in_dim3A_1127 = vector.broadcast %jit3A_1125 : i32 to vector<16xi32>
    %select_n3A_1128 = arith.select %ge3A_1123, %broadcast_in_dim3A_1126, %broadcast_in_dim3A_1127 : vector<16xi1>, vector<16xi32>
    %add3A_1129 = arith.addi %add3A_1120, %select_n3A_1128 : vector<16xi32>
    %mul3A_1130 = arith.constant 253952 : i32
    %mul3A_1131 = vector.broadcast %mul3A_1130 : i32 to vector<16xi32>
    %mul3A_1132 = arith.muli %add3A_1129, %mul3A_1131 : vector<16xi32>
    %sub3A_1133 = arith.subi %get3A_1100, %mul3A_1132 : vector<16xi32>
    %swap3A_1134 = arith.constant 3 : i32
    %swap3A_1135 = arith.index_cast %swap3A_1134 : i32 to index
    %swap3A_1136 = arith.constant 16 : index
    %swap3A_1137 = tpu.vector_load %arg6[%swap3A_1135, %swap3A_1136] {strides = array<i32>} : memref<4x128xi32, #tpu.memory_space<vmem>>, vector<1x16xi32>,
    %swap3A_1138 = vector.shape_cast %swap3A_1137 : vector<1x16xi32> to vector<16xi32>
    %swap3A_1139 = vector.shape_cast %sub3A_1133 : vector<16xi32> to vector<1x16xi32>
    tpu.vector_store %arg6[%swap3A_1135, %swap3A_1136], %swap3A_1139 {strides = array<i32>} : memref<4x128xi32, #tpu.memory_space<vmem>>, vector<1x16xi32>,
    %get3A_1140 = arith.constant 3 : i32
    %get3A_1141 = arith.index_cast %get3A_1140 : i32 to index
    %get3A_1142 = arith.constant 32 : index
    %get3A_1143 = tpu.vector_load %arg5[%get3A_1141, %get3A_1142] {strides = array<i32>} : memref<4x128xi32, #tpu.memory_space<vmem>>, vector<1x16xi32>,
    %get3A_1144 = vector.shape_cast %get3A_1143 : vector<1x16xi32> to vector<16xi32>
    %broadcast_in_dim3A_1145 = arith.constant 0 : i32
    %broadcast_in_dim3A_1146 = vector.broadcast %broadcast_in_dim3A_1145 : i32 to vector<16xi32>
    %ge3A_1147 = arith.constant 253952 : i32
    %ge3A_1148 = vector.broadcast %ge3A_1147 : i32 to vector<16xi32>
    %ge3A_1149 = arith.cmpi sge, %get3A_1144, %ge3A_1148 : vector<16xi32>
    %jit3A_1150 = arith.constant 1 : i32
    %jit3A_1151 = arith.constant 0 : i32
    %broadcast_in_dim3A_1152 = vector.broadcast %jit3A_1150 : i32 to vector<16xi32>
    %broadcast_in_dim3A_1153 = vector.broadcast %jit3A_1151 : i32 to vector<16xi32>
    %select_n3A_1154 = arith.select %ge3A_1149, %broadcast_in_dim3A_1152, %broadcast_in_dim3A_1153 : vector<16xi1>, vector<16xi32>
    %add3A_1155 = arith.addi %broadcast_in_dim3A_1146, %select_n3A_1154 : vector<16xi32>
    %ge3A_1156 = arith.constant 507904 : i32
    %ge3A_1157 = vector.broadcast %ge3A_1156 : i32 to vector<16xi32>
    %ge3A_1158 = arith.cmpi sge, %get3A_1144, %ge3A_1157 : vector<16xi32>
    %jit3A_1159 = arith.constant 1 : i32
    %jit3A_1160 = arith.constant 0 : i32
    %broadcast_in_dim3A_1161 = vector.broadcast %jit3A_1159 : i32 to vector<16xi32>
    %broadcast_in_dim3A_1162 = vector.broadcast %jit3A_1160 : i32 to vector<16xi32>
    %select_n3A_1163 = arith.select %ge3A_1158, %broadcast_in_dim3A_1161, %broadcast_in_dim3A_1162 : vector<16xi1>, vector<16xi32>
    %add3A_1164 = arith.addi %add3A_1155, %select_n3A_1163 : vector<16xi32>
    %ge3A_1165 = arith.constant 761856 : i32
    %ge3A_1166 = vector.broadcast %ge3A_1165 : i32 to vector<16xi32>
    %ge3A_1167 = arith.cmpi sge, %get3A_1144, %ge3A_1166 : vector<16xi32>
    %jit3A_1168 = arith.constant 1 : i32
    %jit3A_1169 = arith.constant 0 : i32
    %broadcast_in_dim3A_1170 = vector.broadcast %jit3A_1168 : i32 to vector<16xi32>
    %broadcast_in_dim3A_1171 = vector.broadcast %jit3A_1169 : i32 to vector<16xi32>
    %select_n3A_1172 = arith.select %ge3A_1167, %broadcast_in_dim3A_1170, %broadcast_in_dim3A_1171 : vector<16xi1>, vector<16xi32>
    %add3A_1173 = arith.addi %add3A_1164, %select_n3A_1172 : vector<16xi32>
    %mul3A_1174 = arith.constant 253952 : i32
    %mul3A_1175 = vector.broadcast %mul3A_1174 : i32 to vector<16xi32>
    %mul3A_1176 = arith.muli %add3A_1173, %mul3A_1175 : vector<16xi32>
    %sub3A_1177 = arith.subi %get3A_1144, %mul3A_1176 : vector<16xi32>
    %swap3A_1178 = arith.constant 3 : i32
    %swap3A_1179 = arith.index_cast %swap3A_1178 : i32 to index
    %swap3A_1180 = arith.constant 32 : index
    %swap3A_1181 = tpu.vector_load %arg6[%swap3A_1179, %swap3A_1180] {strides = array<i32>} : memref<4x128xi32, #tpu.memory_space<vmem>>, vector<1x16xi32>,
    %swap3A_1182 = vector.shape_cast %swap3A_1181 : vector<1x16xi32> to vector<16xi32>
    %swap3A_1183 = vector.shape_cast %sub3A_1177 : vector<16xi32> to vector<1x16xi32>
    tpu.vector_store %arg6[%swap3A_1179, %swap3A_1180], %swap3A_1183 {strides = array<i32>} : memref<4x128xi32, #tpu.memory_space<vmem>>, vector<1x16xi32>,
    %get3A_1184 = arith.constant 3 : i32
    %get3A_1185 = arith.index_cast %get3A_1184 : i32 to index
    %get3A_1186 = arith.constant 48 : index
    %get3A_1187 = tpu.vector_load %arg5[%get3A_1185, %get3A_1186] {strides = array<i32>} : memref<4x128xi32, #tpu.memory_space<vmem>>, vector<1x16xi32>,
    %get3A_1188 = vector.shape_cast %get3A_1187 : vector<1x16xi32> to vector<16xi32>
    %broadcast_in_dim3A_1189 = arith.constant 0 : i32
    %broadcast_in_dim3A_1190 = vector.broadcast %broadcast_in_dim3A_1189 : i32 to vector<16xi32>
    %ge3A_1191 = arith.constant 253952 : i32
    %ge3A_1192 = vector.broadcast %ge3A_1191 : i32 to vector<16xi32>
    %ge3A_1193 = arith.cmpi sge, %get3A_1188, %ge3A_1192 : vector<16xi32>
    %jit3A_1194 = arith.constant 1 : i32
    %jit3A_1195 = arith.constant 0 : i32
    %broadcast_in_dim3A_1196 = vector.broadcast %jit3A_1194 : i32 to vector<16xi32>
    %broadcast_in_dim3A_1197 = vector.broadcast %jit3A_1195 : i32 to vector<16xi32>
    %select_n3A_1198 = arith.select %ge3A_1193, %broadcast_in_dim3A_1196, %broadcast_in_dim3A_1197 : vector<16xi1>, vector<16xi32>
    %add3A_1199 = arith.addi %broadcast_in_dim3A_1190, %select_n3A_1198 : vector<16xi32>
    %ge3A_1200 = arith.constant 507904 : i32
    %ge3A_1201 = vector.broadcast %ge3A_1200 : i32 to vector<16xi32>
    %ge3A_1202 = arith.cmpi sge, %get3A_1188, %ge3A_1201 : vector<16xi32>
    %jit3A_1203 = arith.constant 1 : i32
    %jit3A_1204 = arith.constant 0 : i32
    %broadcast_in_dim3A_1205 = vector.broadcast %jit3A_1203 : i32 to vector<16xi32>
    %broadcast_in_dim3A_1206 = vector.broadcast %jit3A_1204 : i32 to vector<16xi32>
    %select_n3A_1207 = arith.select %ge3A_1202, %broadcast_in_dim3A_1205, %broadcast_in_dim3A_1206 : vector<16xi1>, vector<16xi32>
    %add3A_1208 = arith.addi %add3A_1199, %select_n3A_1207 : vector<16xi32>
    %ge3A_1209 = arith.constant 761856 : i32
    %ge3A_1210 = vector.broadcast %ge3A_1209 : i32 to vector<16xi32>
    %ge3A_1211 = arith.cmpi sge, %get3A_1188, %ge3A_1210 : vector<16xi32>
    %jit3A_1212 = arith.constant 1 : i32
    %jit3A_1213 = arith.constant 0 : i32
    %broadcast_in_dim3A_1214 = vector.broadcast %jit3A_1212 : i32 to vector<16xi32>
    %broadcast_in_dim3A_1215 = vector.broadcast %jit3A_1213 : i32 to vector<16xi32>
    %select_n3A_1216 = arith.select %ge3A_1211, %broadcast_in_dim3A_1214, %broadcast_in_dim3A_1215 : vector<16xi1>, vector<16xi32>
    %add3A_1217 = arith.addi %add3A_1208, %select_n3A_1216 : vector<16xi32>
    %mul3A_1218 = arith.constant 253952 : i32
    %mul3A_1219 = vector.broadcast %mul3A_1218 : i32 to vector<16xi32>
    %mul3A_1220 = arith.muli %add3A_1217, %mul3A_1219 : vector<16xi32>
    %sub3A_1221 = arith.subi %get3A_1188, %mul3A_1220 : vector<16xi32>
    %swap3A_1222 = arith.constant 3 : i32
    %swap3A_1223 = arith.index_cast %swap3A_1222 : i32 to index
    %swap3A_1224 = arith.constant 48 : index
    %swap3A_1225 = tpu.vector_load %arg6[%swap3A_1223, %swap3A_1224] {strides = array<i32>} : memref<4x128xi32, #tpu.memory_space<vmem>>, vector<1x16xi32>,
    %swap3A_1226 = vector.shape_cast %swap3A_1225 : vector<1x16xi32> to vector<16xi32>
    %swap3A_1227 = vector.shape_cast %sub3A_1221 : vector<16xi32> to vector<1x16xi32>
    tpu.vector_store %arg6[%swap3A_1223, %swap3A_1224], %swap3A_1227 {strides = array<i32>} : memref<4x128xi32, #tpu.memory_space<vmem>>, vector<1x16xi32>,
    %get3A_1228 = arith.constant 3 : i32
    %get3A_1229 = arith.index_cast %get3A_1228 : i32 to index
    %get3A_1230 = arith.constant 64 : index
    %get3A_1231 = tpu.vector_load %arg5[%get3A_1229, %get3A_1230] {strides = array<i32>} : memref<4x128xi32, #tpu.memory_space<vmem>>, vector<1x16xi32>,
    %get3A_1232 = vector.shape_cast %get3A_1231 : vector<1x16xi32> to vector<16xi32>
    %broadcast_in_dim3A_1233 = arith.constant 0 : i32
    %broadcast_in_dim3A_1234 = vector.broadcast %broadcast_in_dim3A_1233 : i32 to vector<16xi32>
    %ge3A_1235 = arith.constant 253952 : i32
    %ge3A_1236 = vector.broadcast %ge3A_1235 : i32 to vector<16xi32>
    %ge3A_1237 = arith.cmpi sge, %get3A_1232, %ge3A_1236 : vector<16xi32>
    %jit3A_1238 = arith.constant 1 : i32
    %jit3A_1239 = arith.constant 0 : i32
    %broadcast_in_dim3A_1240 = vector.broadcast %jit3A_1238 : i32 to vector<16xi32>
    %broadcast_in_dim3A_1241 = vector.broadcast %jit3A_1239 : i32 to vector<16xi32>
    %select_n3A_1242 = arith.select %ge3A_1237, %broadcast_in_dim3A_1240, %broadcast_in_dim3A_1241 : vector<16xi1>, vector<16xi32>
    %add3A_1243 = arith.addi %broadcast_in_dim3A_1234, %select_n3A_1242 : vector<16xi32>
    %ge3A_1244 = arith.constant 507904 : i32
    %ge3A_1245 = vector.broadcast %ge3A_1244 : i32 to vector<16xi32>
    %ge3A_1246 = arith.cmpi sge, %get3A_1232, %ge3A_1245 : vector<16xi32>
    %jit3A_1247 = arith.constant 1 : i32
    %jit3A_1248 = arith.constant 0 : i32
    %broadcast_in_dim3A_1249 = vector.broadcast %jit3A_1247 : i32 to vector<16xi32>
    %broadcast_in_dim3A_1250 = vector.broadcast %jit3A_1248 : i32 to vector<16xi32>
    %select_n3A_1251 = arith.select %ge3A_1246, %broadcast_in_dim3A_1249, %broadcast_in_dim3A_1250 : vector<16xi1>, vector<16xi32>
    %add3A_1252 = arith.addi %add3A_1243, %select_n3A_1251 : vector<16xi32>
    %ge3A_1253 = arith.constant 761856 : i32
    %ge3A_1254 = vector.broadcast %ge3A_1253 : i32 to vector<16xi32>
    %ge3A_1255 = arith.cmpi sge, %get3A_1232, %ge3A_1254 : vector<16xi32>
    %jit3A_1256 = arith.constant 1 : i32
    %jit3A_1257 = arith.constant 0 : i32
    %broadcast_in_dim3A_1258 = vector.broadcast %jit3A_1256 : i32 to vector<16xi32>
    %broadcast_in_dim3A_1259 = vector.broadcast %jit3A_1257 : i32 to vector<16xi32>
    %select_n3A_1260 = arith.select %ge3A_1255, %broadcast_in_dim3A_1258, %broadcast_in_dim3A_1259 : vector<16xi1>, vector<16xi32>
    %add3A_1261 = arith.addi %add3A_1252, %select_n3A_1260 : vector<16xi32>
    %mul3A_1262 = arith.constant 253952 : i32
    %mul3A_1263 = vector.broadcast %mul3A_1262 : i32 to vector<16xi32>
    %mul3A_1264 = arith.muli %add3A_1261, %mul3A_1263 : vector<16xi32>
    %sub3A_1265 = arith.subi %get3A_1232, %mul3A_1264 : vector<16xi32>
    %swap3A_1266 = arith.constant 3 : i32
    %swap3A_1267 = arith.index_cast %swap3A_1266 : i32 to index
    %swap3A_1268 = arith.constant 64 : index
    %swap3A_1269 = tpu.vector_load %arg6[%swap3A_1267, %swap3A_1268] {strides = array<i32>} : memref<4x128xi32, #tpu.memory_space<vmem>>, vector<1x16xi32>,
    %swap3A_1270 = vector.shape_cast %swap3A_1269 : vector<1x16xi32> to vector<16xi32>
    %swap3A_1271 = vector.shape_cast %sub3A_1265 : vector<16xi32> to vector<1x16xi32>
    tpu.vector_store %arg6[%swap3A_1267, %swap3A_1268], %swap3A_1271 {strides = array<i32>} : memref<4x128xi32, #tpu.memory_space<vmem>>, vector<1x16xi32>,
    %get3A_1272 = arith.constant 3 : i32
    %get3A_1273 = arith.index_cast %get3A_1272 : i32 to index
    %get3A_1274 = arith.constant 80 : index
    %get3A_1275 = tpu.vector_load %arg5[%get3A_1273, %get3A_1274] {strides = array<i32>} : memref<4x128xi32, #tpu.memory_space<vmem>>, vector<1x16xi32>,
    %get3A_1276 = vector.shape_cast %get3A_1275 : vector<1x16xi32> to vector<16xi32>
    %broadcast_in_dim3A_1277 = arith.constant 0 : i32
    %broadcast_in_dim3A_1278 = vector.broadcast %broadcast_in_dim3A_1277 : i32 to vector<16xi32>
    %ge3A_1279 = arith.constant 253952 : i32
    %ge3A_1280 = vector.broadcast %ge3A_1279 : i32 to vector<16xi32>
    %ge3A_1281 = arith.cmpi sge, %get3A_1276, %ge3A_1280 : vector<16xi32>
    %jit3A_1282 = arith.constant 1 : i32
    %jit3A_1283 = arith.constant 0 : i32
    %broadcast_in_dim3A_1284 = vector.broadcast %jit3A_1282 : i32 to vector<16xi32>
    %broadcast_in_dim3A_1285 = vector.broadcast %jit3A_1283 : i32 to vector<16xi32>
    %select_n3A_1286 = arith.select %ge3A_1281, %broadcast_in_dim3A_1284, %broadcast_in_dim3A_1285 : vector<16xi1>, vector<16xi32>
    %add3A_1287 = arith.addi %broadcast_in_dim3A_1278, %select_n3A_1286 : vector<16xi32>
    %ge3A_1288 = arith.constant 507904 : i32
    %ge3A_1289 = vector.broadcast %ge3A_1288 : i32 to vector<16xi32>
    %ge3A_1290 = arith.cmpi sge, %get3A_1276, %ge3A_1289 : vector<16xi32>
    %jit3A_1291 = arith.constant 1 : i32
    %jit3A_1292 = arith.constant 0 : i32
    %broadcast_in_dim3A_1293 = vector.broadcast %jit3A_1291 : i32 to vector<16xi32>
    %broadcast_in_dim3A_1294 = vector.broadcast %jit3A_1292 : i32 to vector<16xi32>
    %select_n3A_1295 = arith.select %ge3A_1290, %broadcast_in_dim3A_1293, %broadcast_in_dim3A_1294 : vector<16xi1>, vector<16xi32>
    %add3A_1296 = arith.addi %add3A_1287, %select_n3A_1295 : vector<16xi32>
    %ge3A_1297 = arith.constant 761856 : i32
    %ge3A_1298 = vector.broadcast %ge3A_1297 : i32 to vector<16xi32>
    %ge3A_1299 = arith.cmpi sge, %get3A_1276, %ge3A_1298 : vector<16xi32>
    %jit3A_1300 = arith.constant 1 : i32
    %jit3A_1301 = arith.constant 0 : i32
    %broadcast_in_dim3A_1302 = vector.broadcast %jit3A_1300 : i32 to vector<16xi32>
    %broadcast_in_dim3A_1303 = vector.broadcast %jit3A_1301 : i32 to vector<16xi32>
    %select_n3A_1304 = arith.select %ge3A_1299, %broadcast_in_dim3A_1302, %broadcast_in_dim3A_1303 : vector<16xi1>, vector<16xi32>
    %add3A_1305 = arith.addi %add3A_1296, %select_n3A_1304 : vector<16xi32>
    %mul3A_1306 = arith.constant 253952 : i32
    %mul3A_1307 = vector.broadcast %mul3A_1306 : i32 to vector<16xi32>
    %mul3A_1308 = arith.muli %add3A_1305, %mul3A_1307 : vector<16xi32>
    %sub3A_1309 = arith.subi %get3A_1276, %mul3A_1308 : vector<16xi32>
    %swap3A_1310 = arith.constant 3 : i32
    %swap3A_1311 = arith.index_cast %swap3A_1310 : i32 to index
    %swap3A_1312 = arith.constant 80 : index
    %swap3A_1313 = tpu.vector_load %arg6[%swap3A_1311, %swap3A_1312] {strides = array<i32>} : memref<4x128xi32, #tpu.memory_space<vmem>>, vector<1x16xi32>,
    %swap3A_1314 = vector.shape_cast %swap3A_1313 : vector<1x16xi32> to vector<16xi32>
    %swap3A_1315 = vector.shape_cast %sub3A_1309 : vector<16xi32> to vector<1x16xi32>
    tpu.vector_store %arg6[%swap3A_1311, %swap3A_1312], %swap3A_1315 {strides = array<i32>} : memref<4x128xi32, #tpu.memory_space<vmem>>, vector<1x16xi32>,
    %get3A_1316 = arith.constant 3 : i32
    %get3A_1317 = arith.index_cast %get3A_1316 : i32 to index
    %get3A_1318 = arith.constant 96 : index
    %get3A_1319 = tpu.vector_load %arg5[%get3A_1317, %get3A_1318] {strides = array<i32>} : memref<4x128xi32, #tpu.memory_space<vmem>>, vector<1x16xi32>,
    %get3A_1320 = vector.shape_cast %get3A_1319 : vector<1x16xi32> to vector<16xi32>
    %broadcast_in_dim3A_1321 = arith.constant 0 : i32
    %broadcast_in_dim3A_1322 = vector.broadcast %broadcast_in_dim3A_1321 : i32 to vector<16xi32>
    %ge3A_1323 = arith.constant 253952 : i32
    %ge3A_1324 = vector.broadcast %ge3A_1323 : i32 to vector<16xi32>
    %ge3A_1325 = arith.cmpi sge, %get3A_1320, %ge3A_1324 : vector<16xi32>
    %jit3A_1326 = arith.constant 1 : i32
    %jit3A_1327 = arith.constant 0 : i32
    %broadcast_in_dim3A_1328 = vector.broadcast %jit3A_1326 : i32 to vector<16xi32>
    %broadcast_in_dim3A_1329 = vector.broadcast %jit3A_1327 : i32 to vector<16xi32>
    %select_n3A_1330 = arith.select %ge3A_1325, %broadcast_in_dim3A_1328, %broadcast_in_dim3A_1329 : vector<16xi1>, vector<16xi32>
    %add3A_1331 = arith.addi %broadcast_in_dim3A_1322, %select_n3A_1330 : vector<16xi32>
    %ge3A_1332 = arith.constant 507904 : i32
    %ge3A_1333 = vector.broadcast %ge3A_1332 : i32 to vector<16xi32>
    %ge3A_1334 = arith.cmpi sge, %get3A_1320, %ge3A_1333 : vector<16xi32>
    %jit3A_1335 = arith.constant 1 : i32
    %jit3A_1336 = arith.constant 0 : i32
    %broadcast_in_dim3A_1337 = vector.broadcast %jit3A_1335 : i32 to vector<16xi32>
    %broadcast_in_dim3A_1338 = vector.broadcast %jit3A_1336 : i32 to vector<16xi32>
    %select_n3A_1339 = arith.select %ge3A_1334, %broadcast_in_dim3A_1337, %broadcast_in_dim3A_1338 : vector<16xi1>, vector<16xi32>
    %add3A_1340 = arith.addi %add3A_1331, %select_n3A_1339 : vector<16xi32>
    %ge3A_1341 = arith.constant 761856 : i32
    %ge3A_1342 = vector.broadcast %ge3A_1341 : i32 to vector<16xi32>
    %ge3A_1343 = arith.cmpi sge, %get3A_1320, %ge3A_1342 : vector<16xi32>
    %jit3A_1344 = arith.constant 1 : i32
    %jit3A_1345 = arith.constant 0 : i32
    %broadcast_in_dim3A_1346 = vector.broadcast %jit3A_1344 : i32 to vector<16xi32>
    %broadcast_in_dim3A_1347 = vector.broadcast %jit3A_1345 : i32 to vector<16xi32>
    %select_n3A_1348 = arith.select %ge3A_1343, %broadcast_in_dim3A_1346, %broadcast_in_dim3A_1347 : vector<16xi1>, vector<16xi32>
    %add3A_1349 = arith.addi %add3A_1340, %select_n3A_1348 : vector<16xi32>
    %mul3A_1350 = arith.constant 253952 : i32
    %mul3A_1351 = vector.broadcast %mul3A_1350 : i32 to vector<16xi32>
    %mul3A_1352 = arith.muli %add3A_1349, %mul3A_1351 : vector<16xi32>
    %sub3A_1353 = arith.subi %get3A_1320, %mul3A_1352 : vector<16xi32>
    %swap3A_1354 = arith.constant 3 : i32
    %swap3A_1355 = arith.index_cast %swap3A_1354 : i32 to index
    %swap3A_1356 = arith.constant 96 : index
    %swap3A_1357 = tpu.vector_load %arg6[%swap3A_1355, %swap3A_1356] {strides = array<i32>} : memref<4x128xi32, #tpu.memory_space<vmem>>, vector<1x16xi32>,
    %swap3A_1358 = vector.shape_cast %swap3A_1357 : vector<1x16xi32> to vector<16xi32>
    %swap3A_1359 = vector.shape_cast %sub3A_1353 : vector<16xi32> to vector<1x16xi32>
    tpu.vector_store %arg6[%swap3A_1355, %swap3A_1356], %swap3A_1359 {strides = array<i32>} : memref<4x128xi32, #tpu.memory_space<vmem>>, vector<1x16xi32>,
    %get3A_1360 = arith.constant 3 : i32
    %get3A_1361 = arith.index_cast %get3A_1360 : i32 to index
    %get3A_1362 = arith.constant 112 : index
    %get3A_1363 = tpu.vector_load %arg5[%get3A_1361, %get3A_1362] {strides = array<i32>} : memref<4x128xi32, #tpu.memory_space<vmem>>, vector<1x16xi32>,
    %get3A_1364 = vector.shape_cast %get3A_1363 : vector<1x16xi32> to vector<16xi32>
    %broadcast_in_dim3A_1365 = arith.constant 0 : i32
    %broadcast_in_dim3A_1366 = vector.broadcast %broadcast_in_dim3A_1365 : i32 to vector<16xi32>
    %ge3A_1367 = arith.constant 253952 : i32
    %ge3A_1368 = vector.broadcast %ge3A_1367 : i32 to vector<16xi32>
    %ge3A_1369 = arith.cmpi sge, %get3A_1364, %ge3A_1368 : vector<16xi32>
    %jit3A_1370 = arith.constant 1 : i32
    %jit3A_1371 = arith.constant 0 : i32
    %broadcast_in_dim3A_1372 = vector.broadcast %jit3A_1370 : i32 to vector<16xi32>
    %broadcast_in_dim3A_1373 = vector.broadcast %jit3A_1371 : i32 to vector<16xi32>
    %select_n3A_1374 = arith.select %ge3A_1369, %broadcast_in_dim3A_1372, %broadcast_in_dim3A_1373 : vector<16xi1>, vector<16xi32>
    %add3A_1375 = arith.addi %broadcast_in_dim3A_1366, %select_n3A_1374 : vector<16xi32>
    %ge3A_1376 = arith.constant 507904 : i32
    %ge3A_1377 = vector.broadcast %ge3A_1376 : i32 to vector<16xi32>
    %ge3A_1378 = arith.cmpi sge, %get3A_1364, %ge3A_1377 : vector<16xi32>
    %jit3A_1379 = arith.constant 1 : i32
    %jit3A_1380 = arith.constant 0 : i32
    %broadcast_in_dim3A_1381 = vector.broadcast %jit3A_1379 : i32 to vector<16xi32>
    %broadcast_in_dim3A_1382 = vector.broadcast %jit3A_1380 : i32 to vector<16xi32>
    %select_n3A_1383 = arith.select %ge3A_1378, %broadcast_in_dim3A_1381, %broadcast_in_dim3A_1382 : vector<16xi1>, vector<16xi32>
    %add3A_1384 = arith.addi %add3A_1375, %select_n3A_1383 : vector<16xi32>
    %ge3A_1385 = arith.constant 761856 : i32
    %ge3A_1386 = vector.broadcast %ge3A_1385 : i32 to vector<16xi32>
    %ge3A_1387 = arith.cmpi sge, %get3A_1364, %ge3A_1386 : vector<16xi32>
    %jit3A_1388 = arith.constant 1 : i32
    %jit3A_1389 = arith.constant 0 : i32
    %broadcast_in_dim3A_1390 = vector.broadcast %jit3A_1388 : i32 to vector<16xi32>
    %broadcast_in_dim3A_1391 = vector.broadcast %jit3A_1389 : i32 to vector<16xi32>
    %select_n3A_1392 = arith.select %ge3A_1387, %broadcast_in_dim3A_1390, %broadcast_in_dim3A_1391 : vector<16xi1>, vector<16xi32>
    %add3A_1393 = arith.addi %add3A_1384, %select_n3A_1392 : vector<16xi32>
    %mul3A_1394 = arith.constant 253952 : i32
    %mul3A_1395 = vector.broadcast %mul3A_1394 : i32 to vector<16xi32>
    %mul3A_1396 = arith.muli %add3A_1393, %mul3A_1395 : vector<16xi32>
    %sub3A_1397 = arith.subi %get3A_1364, %mul3A_1396 : vector<16xi32>
    %swap3A_1398 = arith.constant 3 : i32
    %swap3A_1399 = arith.index_cast %swap3A_1398 : i32 to index
    %swap3A_1400 = arith.constant 112 : index
    %swap3A_1401 = tpu.vector_load %arg6[%swap3A_1399, %swap3A_1400] {strides = array<i32>} : memref<4x128xi32, #tpu.memory_space<vmem>>, vector<1x16xi32>,
    %swap3A_1402 = vector.shape_cast %swap3A_1401 : vector<1x16xi32> to vector<16xi32>
    %swap3A_1403 = vector.shape_cast %sub3A_1397 : vector<16xi32> to vector<1x16xi32>
    tpu.vector_store %arg6[%swap3A_1399, %swap3A_1400], %swap3A_1403 {strides = array<i32>} : memref<4x128xi32, #tpu.memory_space<vmem>>, vector<1x16xi32>,
    %dma_start3A = arith.constant 0 : i32
    %dma_start3A_1404 = arith.constant 0 : i32
    %dma_start3A_1405 = arith.constant 0 : i32
    %dma_start3A_1406 = tpu.memref_slice %arg7[%dma_start3A_1404, %dma_start3A_1405] : memref<512x128xf32, #tpu.memory_space<vmem>> -> memref<128x128xf32, #tpu.memory_space<vmem>>
    %dma_start3A_1407 = arith.constant 0 : i32
    %dma_start3A_1408 = tpu.memref_slice %arg6[%dma_start3A, %dma_start3A_1407] : memref<4x128xi32, #tpu.memory_space<vmem>> -> memref<1x128xi32, #tpu.memory_space<vmem>>
    %dma_start3A_1409 = tpu.memref_squeeze %dma_start3A_1408 : memref<1x128xi32, #tpu.memory_space<vmem>> -> memref<128xi32, #tpu.memory_space<vmem>>
    %dma_start3A_1410 = arith.constant 0 : i32
    %dma_start3A_1411 = arith.constant 0 : i32
    %dma_start3A_1412 = tpu.memref_slice %arg3[%dma_start3A_1410, %dma_start3A_1411] : memref<253952x128xf32, #tpu.memory_space<hbm>> -> memref<253952x128xf32, #tpu.memory_space<hbm>>
    tpu.enqueue_indirect_dma source(%dma_start3A_1412 : memref<253952x128xf32, #tpu.memory_space<hbm>>) target(%dma_start3A_1406 : memref<128x128xf32, #tpu.memory_space<vmem>>) offsets(%dma_start3A_1409 : memref<128xi32, #tpu.memory_space<vmem>>) semaphore(%arg8 : memref<!tpu.dma_semaphore, #tpu.memory_space<semaphore_mem>>)
    %dma_start3A_1413 = arith.constant 1 : i32
    %dma_start3A_1414 = arith.constant 128 : i32
    %dma_start3A_1415 = arith.constant 0 : i32
    %dma_start3A_1416 = tpu.memref_slice %arg7[%dma_start3A_1414, %dma_start3A_1415] : memref<512x128xf32, #tpu.memory_space<vmem>> -> memref<128x128xf32, #tpu.memory_space<vmem>>
    %dma_start3A_1417 = arith.constant 0 : i32
    %dma_start3A_1418 = tpu.memref_slice %arg6[%dma_start3A_1413, %dma_start3A_1417] : memref<4x128xi32, #tpu.memory_space<vmem>> -> memref<1x128xi32, #tpu.memory_space<vmem>>
    %dma_start3A_1419 = tpu.memref_squeeze %dma_start3A_1418 : memref<1x128xi32, #tpu.memory_space<vmem>> -> memref<128xi32, #tpu.memory_space<vmem>>
    %dma_start3A_1420 = arith.constant 0 : i32
    %dma_start3A_1421 = arith.constant 0 : i32
    %dma_start3A_1422 = tpu.memref_slice %arg3[%dma_start3A_1420, %dma_start3A_1421] : memref<253952x128xf32, #tpu.memory_space<hbm>> -> memref<253952x128xf32, #tpu.memory_space<hbm>>
    tpu.enqueue_indirect_dma source(%dma_start3A_1422 : memref<253952x128xf32, #tpu.memory_space<hbm>>) target(%dma_start3A_1416 : memref<128x128xf32, #tpu.memory_space<vmem>>) offsets(%dma_start3A_1419 : memref<128xi32, #tpu.memory_space<vmem>>) semaphore(%arg8 : memref<!tpu.dma_semaphore, #tpu.memory_space<semaphore_mem>>)
    %dma_start3A_1423 = arith.constant 2 : i32
    %dma_start3A_1424 = arith.constant 256 : i32
    %dma_start3A_1425 = arith.constant 0 : i32
    %dma_start3A_1426 = tpu.memref_slice %arg7[%dma_start3A_1424, %dma_start3A_1425] : memref<512x128xf32, #tpu.memory_space<vmem>> -> memref<128x128xf32, #tpu.memory_space<vmem>>
    %dma_start3A_1427 = arith.constant 0 : i32
    %dma_start3A_1428 = tpu.memref_slice %arg6[%dma_start3A_1423, %dma_start3A_1427] : memref<4x128xi32, #tpu.memory_space<vmem>> -> memref<1x128xi32, #tpu.memory_space<vmem>>
    %dma_start3A_1429 = tpu.memref_squeeze %dma_start3A_1428 : memref<1x128xi32, #tpu.memory_space<vmem>> -> memref<128xi32, #tpu.memory_space<vmem>>
    %dma_start3A_1430 = arith.constant 0 : i32
    %dma_start3A_1431 = arith.constant 0 : i32
    %dma_start3A_1432 = tpu.memref_slice %arg3[%dma_start3A_1430, %dma_start3A_1431] : memref<253952x128xf32, #tpu.memory_space<hbm>> -> memref<253952x128xf32, #tpu.memory_space<hbm>>
    tpu.enqueue_indirect_dma source(%dma_start3A_1432 : memref<253952x128xf32, #tpu.memory_space<hbm>>) target(%dma_start3A_1426 : memref<128x128xf32, #tpu.memory_space<vmem>>) offsets(%dma_start3A_1429 : memref<128xi32, #tpu.memory_space<vmem>>) semaphore(%arg8 : memref<!tpu.dma_semaphore, #tpu.memory_space<semaphore_mem>>)
    %dma_start3A_1433 = arith.constant 3 : i32
    %dma_start3A_1434 = arith.constant 384 : i32
    %dma_start3A_1435 = arith.constant 0 : i32
    %dma_start3A_1436 = tpu.memref_slice %arg7[%dma_start3A_1434, %dma_start3A_1435] : memref<512x128xf32, #tpu.memory_space<vmem>> -> memref<128x128xf32, #tpu.memory_space<vmem>>
    %dma_start3A_1437 = arith.constant 0 : i32
    %dma_start3A_1438 = tpu.memref_slice %arg6[%dma_start3A_1433, %dma_start3A_1437] : memref<4x128xi32, #tpu.memory_space<vmem>> -> memref<1x128xi32, #tpu.memory_space<vmem>>
    %dma_start3A_1439 = tpu.memref_squeeze %dma_start3A_1438 : memref<1x128xi32, #tpu.memory_space<vmem>> -> memref<128xi32, #tpu.memory_space<vmem>>
    %dma_start3A_1440 = arith.constant 0 : i32
    %dma_start3A_1441 = arith.constant 0 : i32
    %dma_start3A_1442 = tpu.memref_slice %arg3[%dma_start3A_1440, %dma_start3A_1441] : memref<253952x128xf32, #tpu.memory_space<hbm>> -> memref<253952x128xf32, #tpu.memory_space<hbm>>
    tpu.enqueue_indirect_dma source(%dma_start3A_1442 : memref<253952x128xf32, #tpu.memory_space<hbm>>) target(%dma_start3A_1436 : memref<128x128xf32, #tpu.memory_space<vmem>>) offsets(%dma_start3A_1439 : memref<128xi32, #tpu.memory_space<vmem>>) semaphore(%arg8 : memref<!tpu.dma_semaphore, #tpu.memory_space<semaphore_mem>>)
    %dma_wait3A = arith.constant 0 : i32
    %dma_wait3A_1443 = arith.constant 0 : i32
    %dma_wait3A_1444 = arith.constant 0 : i32
    %dma_wait3A_1445 = tpu.memref_slice %arg7[%dma_wait3A_1443, %dma_wait3A_1444] : memref<512x128xf32, #tpu.memory_space<vmem>> -> memref<128x128xf32, #tpu.memory_space<vmem>>
    %dma_wait3A_1446 = arith.constant 0 : i32
    %dma_wait3A_1447 = tpu.memref_slice %arg6[%dma_wait3A, %dma_wait3A_1446] : memref<4x128xi32, #tpu.memory_space<vmem>> -> memref<1x128xi32, #tpu.memory_space<vmem>>
    %dma_wait3A_1448 = tpu.memref_squeeze %dma_wait3A_1447 : memref<1x128xi32, #tpu.memory_space<vmem>> -> memref<128xi32, #tpu.memory_space<vmem>>
    %dma_wait3A_1449 = arith.constant 0 : i32
    %dma_wait3A_1450 = arith.constant 0 : i32
    %dma_wait3A_1451 = tpu.memref_slice %arg3[%dma_wait3A_1449, %dma_wait3A_1450] : memref<253952x128xf32, #tpu.memory_space<hbm>> -> memref<253952x128xf32, #tpu.memory_space<hbm>>
    tpu.wait_indirect_dma semaphore(%arg8 : memref<!tpu.dma_semaphore, #tpu.memory_space<semaphore_mem>>) src(%dma_wait3A_1451 : memref<253952x128xf32, #tpu.memory_space<hbm>>) dst(%dma_wait3A_1445 : memref<128x128xf32, #tpu.memory_space<vmem>>)
    %dma_wait3A_1452 = arith.constant 1 : i32
    %dma_wait3A_1453 = arith.constant 128 : i32
    %dma_wait3A_1454 = arith.constant 0 : i32
    %dma_wait3A_1455 = tpu.memref_slice %arg7[%dma_wait3A_1453, %dma_wait3A_1454] : memref<512x128xf32, #tpu.memory_space<vmem>> -> memref<128x128xf32, #tpu.memory_space<vmem>>
    %dma_wait3A_1456 = arith.constant 0 : i32
    %dma_wait3A_1457 = tpu.memref_slice %arg6[%dma_wait3A_1452, %dma_wait3A_1456] : memref<4x128xi32, #tpu.memory_space<vmem>> -> memref<1x128xi32, #tpu.memory_space<vmem>>
    %dma_wait3A_1458 = tpu.memref_squeeze %dma_wait3A_1457 : memref<1x128xi32, #tpu.memory_space<vmem>> -> memref<128xi32, #tpu.memory_space<vmem>>
    %dma_wait3A_1459 = arith.constant 0 : i32
    %dma_wait3A_1460 = arith.constant 0 : i32
    %dma_wait3A_1461 = tpu.memref_slice %arg3[%dma_wait3A_1459, %dma_wait3A_1460] : memref<253952x128xf32, #tpu.memory_space<hbm>> -> memref<253952x128xf32, #tpu.memory_space<hbm>>
    tpu.wait_indirect_dma semaphore(%arg8 : memref<!tpu.dma_semaphore, #tpu.memory_space<semaphore_mem>>) src(%dma_wait3A_1461 : memref<253952x128xf32, #tpu.memory_space<hbm>>) dst(%dma_wait3A_1455 : memref<128x128xf32, #tpu.memory_space<vmem>>)
    %dma_wait3A_1462 = arith.constant 2 : i32
    %dma_wait3A_1463 = arith.constant 256 : i32
    %dma_wait3A_1464 = arith.constant 0 : i32
    %dma_wait3A_1465 = tpu.memref_slice %arg7[%dma_wait3A_1463, %dma_wait3A_1464] : memref<512x128xf32, #tpu.memory_space<vmem>> -> memref<128x128xf32, #tpu.memory_space<vmem>>
    %dma_wait3A_1466 = arith.constant 0 : i32
    %dma_wait3A_1467 = tpu.memref_slice %arg6[%dma_wait3A_1462, %dma_wait3A_1466] : memref<4x128xi32, #tpu.memory_space<vmem>> -> memref<1x128xi32, #tpu.memory_space<vmem>>
    %dma_wait3A_1468 = tpu.memref_squeeze %dma_wait3A_1467 : memref<1x128xi32, #tpu.memory_space<vmem>> -> memref<128xi32, #tpu.memory_space<vmem>>
    %dma_wait3A_1469 = arith.constant 0 : i32
    %dma_wait3A_1470 = arith.constant 0 : i32
    %dma_wait3A_1471 = tpu.memref_slice %arg3[%dma_wait3A_1469, %dma_wait3A_1470] : memref<253952x128xf32, #tpu.memory_space<hbm>> -> memref<253952x128xf32, #tpu.memory_space<hbm>>
    tpu.wait_indirect_dma semaphore(%arg8 : memref<!tpu.dma_semaphore, #tpu.memory_space<semaphore_mem>>) src(%dma_wait3A_1471 : memref<253952x128xf32, #tpu.memory_space<hbm>>) dst(%dma_wait3A_1465 : memref<128x128xf32, #tpu.memory_space<vmem>>)
    %dma_wait3A_1472 = arith.constant 3 : i32
    %dma_wait3A_1473 = arith.constant 384 : i32
    %dma_wait3A_1474 = arith.constant 0 : i32
    %dma_wait3A_1475 = tpu.memref_slice %arg7[%dma_wait3A_1473, %dma_wait3A_1474] : memref<512x128xf32, #tpu.memory_space<vmem>> -> memref<128x128xf32, #tpu.memory_space<vmem>>
    %dma_wait3A_1476 = arith.constant 0 : i32
    %dma_wait3A_1477 = tpu.memref_slice %arg6[%dma_wait3A_1472, %dma_wait3A_1476] : memref<4x128xi32, #tpu.memory_space<vmem>> -> memref<1x128xi32, #tpu.memory_space<vmem>>
    %dma_wait3A_1478 = tpu.memref_squeeze %dma_wait3A_1477 : memref<1x128xi32, #tpu.memory_space<vmem>> -> memref<128xi32, #tpu.memory_space<vmem>>
    %dma_wait3A_1479 = arith.constant 0 : i32
    %dma_wait3A_1480 = arith.constant 0 : i32
    %dma_wait3A_1481 = tpu.memref_slice %arg3[%dma_wait3A_1479, %dma_wait3A_1480] : memref<253952x128xf32, #tpu.memory_space<hbm>> -> memref<253952x128xf32, #tpu.memory_space<hbm>>
    tpu.wait_indirect_dma semaphore(%arg8 : memref<!tpu.dma_semaphore, #tpu.memory_space<semaphore_mem>>) src(%dma_wait3A_1481 : memref<253952x128xf32, #tpu.memory_space<hbm>>) dst(%dma_wait3A_1475 : memref<128x128xf32, #tpu.memory_space<vmem>>)
    %mul3A_1482 = arith.constant 512 : i32
    %mul3A_1483 = arith.muli %add3A, %mul3A_1482 : i32
    "tpu.region"() ({
      %run_scoped3A = tpu.sem_alloc : memref<!tpu.dma_semaphore, #tpu.memory_space<semaphore_mem>>
      %dma_start3A_1484 = arith.constant 0 : i32
      %dma_start3A_1485 = tpu.memref_slice %arg4[%mul3A_1483, %dma_start3A_1484] : memref<16384x128xf32, #tpu.memory_space<hbm>> -> memref<512x128xf32, #tpu.memory_space<hbm>>
      %dma_start3A_1486 = arith.constant 0 : i32
      %dma_start3A_1487 = tpu.memref_slice %arg4[%mul3A_1483, %dma_start3A_1486] : memref<16384x128xf32, #tpu.memory_space<hbm>> -> memref<512x128xf32, #tpu.memory_space<hbm>>
      tpu.enqueue_dma source(%arg7 : memref<512x128xf32, #tpu.memory_space<vmem>>) target(%dma_start3A_1487 : memref<512x128xf32, #tpu.memory_space<hbm>>) target_semaphore(%run_scoped3A : memref<!tpu.dma_semaphore, #tpu.memory_space<semaphore_mem>>)
      %dma_wait3A_1488 = arith.constant 0 : i32
      %dma_wait3A_1489 = tpu.memref_slice %arg4[%mul3A_1483, %dma_wait3A_1488] : memref<16384x128xf32, #tpu.memory_space<hbm>> -> memref<512x128xf32, #tpu.memory_space<hbm>>
      %dma_wait3A_1490 = arith.constant 0 : i32
      %dma_wait3A_1491 = tpu.memref_slice %arg4[%mul3A_1483, %dma_wait3A_1490] : memref<16384x128xf32, #tpu.memory_space<hbm>> -> memref<512x128xf32, #tpu.memory_space<hbm>>
      tpu.wait_dma2 semaphore(%run_scoped3A : memref<!tpu.dma_semaphore, #tpu.memory_space<semaphore_mem>>) src(%arg7 : memref<512x128xf32, #tpu.memory_space<vmem>>) dst(%dma_wait3A_1491 : memref<512x128xf32, #tpu.memory_space<hbm>>)
      tpu.yield
    }) : () -> ()
    return
  }
}

module attributes {stable_mosaic.version = 14 : i64} {
  func.func @_mlp_body(%arg0: i32, %arg1: memref<2048x128xf32, #tpu.memory_space<vmem>>, %arg2: memref<2048x1xi32, #tpu.memory_space<vmem>>, %arg3: memref<32x64xf32, #tpu.memory_space<vmem>>, %arg4: memref<1x64xf32, #tpu.memory_space<vmem>>, %arg5: memref<1x64xf32, #tpu.memory_space<vmem>>, %arg6: memref<1x64xf32, #tpu.memory_space<vmem>>, %arg7: memref<2048x64xf32, #tpu.memory_space<vmem>>) attributes {dimension_semantics = [#tpu.dimension_semantics<arbitrary>], iteration_bounds = array<i64: 8>, scalar_prefetch = 0 : i64, scratch_operands = 0 : i64, tpu.core_type = #tpu.core_type<tc>, window_params = [{transform_indices = @transform_0, window_bounds = array<i64: 2048, 128>}, {transform_indices = @transform_1, window_bounds = array<i64: 2048, 1>}, {pipeline_mode = #tpu.pipeline_mode<synchronous>, transform_indices = @transform_2, window_bounds = array<i64: 32, 64>}, {pipeline_mode = #tpu.pipeline_mode<synchronous>, transform_indices = @transform_3, window_bounds = array<i64: 1, 64>}, {pipeline_mode = #tpu.pipeline_mode<synchronous>, transform_indices = @transform_4, window_bounds = array<i64: 1, 64>}, {pipeline_mode = #tpu.pipeline_mode<synchronous>, transform_indices = @transform_5, window_bounds = array<i64: 1, 64>}, {transform_indices = @transform_6, window_bounds = array<i64: 2048, 64>}]} {
    %get3A = arith.constant 0 : index
    %get3A_0 = arith.constant 0 : index
    %get3A_1 = vector.load %arg2[%get3A, %get3A_0] : memref<2048x1xi32, #tpu.memory_space<vmem>>, vector<2048x1xi32>
    %broadcast_in_dim3A = arith.constant 0 : i32
    %broadcast_in_dim3A_2 = vector.broadcast %broadcast_in_dim3A : i32 to vector<2048x1xi32>
    %ge3A = arith.constant 253952 : i32
    %ge3A_3 = vector.broadcast %ge3A : i32 to vector<2048x1xi32>
    %ge3A_4 = arith.cmpi sge, %get3A_1, %ge3A_3 : vector<2048x1xi32>
    %jit3A = arith.constant 1 : i32
    %jit3A_5 = arith.constant 0 : i32
    %broadcast_in_dim3A_6 = vector.broadcast %jit3A : i32 to vector<2048x1xi32>
    %broadcast_in_dim3A_7 = vector.broadcast %jit3A_5 : i32 to vector<2048x1xi32>
    %select_n3A = arith.select %ge3A_4, %broadcast_in_dim3A_6, %broadcast_in_dim3A_7 : vector<2048x1xi1>, vector<2048x1xi32>
    %add3A = arith.addi %broadcast_in_dim3A_2, %select_n3A : vector<2048x1xi32>
    %ge3A_8 = arith.constant 507904 : i32
    %ge3A_9 = vector.broadcast %ge3A_8 : i32 to vector<2048x1xi32>
    %ge3A_10 = arith.cmpi sge, %get3A_1, %ge3A_9 : vector<2048x1xi32>
    %jit3A_11 = arith.constant 1 : i32
    %jit3A_12 = arith.constant 0 : i32
    %broadcast_in_dim3A_13 = vector.broadcast %jit3A_11 : i32 to vector<2048x1xi32>
    %broadcast_in_dim3A_14 = vector.broadcast %jit3A_12 : i32 to vector<2048x1xi32>
    %select_n3A_15 = arith.select %ge3A_10, %broadcast_in_dim3A_13, %broadcast_in_dim3A_14 : vector<2048x1xi1>, vector<2048x1xi32>
    %add3A_16 = arith.addi %add3A, %select_n3A_15 : vector<2048x1xi32>
    %ge3A_17 = arith.constant 761856 : i32
    %ge3A_18 = vector.broadcast %ge3A_17 : i32 to vector<2048x1xi32>
    %ge3A_19 = arith.cmpi sge, %get3A_1, %ge3A_18 : vector<2048x1xi32>
    %jit3A_20 = arith.constant 1 : i32
    %jit3A_21 = arith.constant 0 : i32
    %broadcast_in_dim3A_22 = vector.broadcast %jit3A_20 : i32 to vector<2048x1xi32>
    %broadcast_in_dim3A_23 = vector.broadcast %jit3A_21 : i32 to vector<2048x1xi32>
    %select_n3A_24 = arith.select %ge3A_19, %broadcast_in_dim3A_22, %broadcast_in_dim3A_23 : vector<2048x1xi1>, vector<2048x1xi32>
    %add3A_25 = arith.addi %add3A_16, %select_n3A_24 : vector<2048x1xi32>
    %get3A_26 = arith.constant 0 : index
    %get3A_27 = arith.constant 0 : index
    %get3A_28 = vector.load %arg1[%get3A_26, %get3A_27] : memref<2048x128xf32, #tpu.memory_space<vmem>>, vector<2048x128xf32>
    %slice3A = vector.extract_strided_slice %get3A_28 {offsets = [0, 0], sizes = [2048, 32], strides = [1, 1]} : vector<2048x128xf32> to vector<2048x32xf32>
    %ge3A_29 = arith.constant 1 : i32
    %ge3A_30 = vector.broadcast %ge3A_29 : i32 to vector<2048x1xi32>
    %ge3A_31 = arith.cmpi sge, %add3A_25, %ge3A_30 : vector<2048x1xi32>
    %slice3A_32 = vector.extract_strided_slice %get3A_28 {offsets = [0, 32], sizes = [2048, 32], strides = [1, 1]} : vector<2048x128xf32> to vector<2048x32xf32>
    %broadcast_in_dim3A_33 = vector.shape_cast %ge3A_31 : vector<2048x1xi1> to vector<2048x1xi1>
    %broadcast_in_dim3A_34 = vector.broadcast %broadcast_in_dim3A_33 : vector<2048x1xi1> to vector<2048x32xi1>
    %select_n3A_35 = arith.select %broadcast_in_dim3A_34, %slice3A_32, %slice3A : vector<2048x32xi1>, vector<2048x32xf32>
    %ge3A_36 = arith.constant 2 : i32
    %ge3A_37 = vector.broadcast %ge3A_36 : i32 to vector<2048x1xi32>
    %ge3A_38 = arith.cmpi sge, %add3A_25, %ge3A_37 : vector<2048x1xi32>
    %slice3A_39 = vector.extract_strided_slice %get3A_28 {offsets = [0, 64], sizes = [2048, 32], strides = [1, 1]} : vector<2048x128xf32> to vector<2048x32xf32>
    %broadcast_in_dim3A_40 = vector.shape_cast %ge3A_38 : vector<2048x1xi1> to vector<2048x1xi1>
    %broadcast_in_dim3A_41 = vector.broadcast %broadcast_in_dim3A_40 : vector<2048x1xi1> to vector<2048x32xi1>
    %select_n3A_42 = arith.select %broadcast_in_dim3A_41, %slice3A_39, %select_n3A_35 : vector<2048x32xi1>, vector<2048x32xf32>
    %ge3A_43 = arith.constant 3 : i32
    %ge3A_44 = vector.broadcast %ge3A_43 : i32 to vector<2048x1xi32>
    %ge3A_45 = arith.cmpi sge, %add3A_25, %ge3A_44 : vector<2048x1xi32>
    %slice3A_46 = vector.extract_strided_slice %get3A_28 {offsets = [0, 96], sizes = [2048, 32], strides = [1, 1]} : vector<2048x128xf32> to vector<2048x32xf32>
    %broadcast_in_dim3A_47 = vector.shape_cast %ge3A_45 : vector<2048x1xi1> to vector<2048x1xi1>
    %broadcast_in_dim3A_48 = vector.broadcast %broadcast_in_dim3A_47 : vector<2048x1xi1> to vector<2048x32xi1>
    %select_n3A_49 = arith.select %broadcast_in_dim3A_48, %slice3A_46, %select_n3A_42 : vector<2048x32xi1>, vector<2048x32xf32>
    %get3A_50 = arith.constant 0 : index
    %get3A_51 = arith.constant 0 : index
    %get3A_52 = vector.load %arg3[%get3A_50, %get3A_51] : memref<32x64xf32, #tpu.memory_space<vmem>>, vector<32x64xf32>
    %dot_general3A = arith.constant dense<0.000000e+00> : vector<2048x64xf32>
    %dot_general3A_53 = tpu.matmul %select_n3A_49, %get3A_52, %dot_general3A {dimension_numbers = #tpu.dot_dimension_numbers<[1], [0], [0], [1], [0, 0, 1, 1], [], []>, transpose_lhs_hint = false} : vector<2048x32xf32>, vector<32x64xf32>, vector<2048x64xf32> -> vector<2048x64xf32>
    %get3A_54 = arith.constant 0 : index
    %get3A_55 = arith.constant 0 : index
    %get3A_56 = vector.load %arg4[%get3A_54, %get3A_55] : memref<1x64xf32, #tpu.memory_space<vmem>>, vector<1x64xf32>
    %add3A_57 = vector.broadcast %get3A_56 : vector<1x64xf32> to vector<2048x64xf32>
    %add3A_58 = arith.addf %dot_general3A_53, %add3A_57 : vector<2048x64xf32>
    %reduce_sum3A = arith.constant dense<0.000000e+00> : vector<2048xf32>
    %reduce_sum3A_59 = vector.multi_reduction <add>, %add3A_58, %reduce_sum3A [1] : vector<2048x64xf32> to vector<2048xf32>
    %broadcast_in_dim3A_60 = vector.shape_cast %reduce_sum3A_59 : vector<2048xf32> to vector<2048x1xf32>
    %div3A = arith.constant 6.400000e+01 : f32
    %div3A_61 = vector.broadcast %div3A : f32 to vector<2048x1xf32>
    %div3A_62 = arith.divf %broadcast_in_dim3A_60, %div3A_61 : vector<2048x1xf32>
    %sub3A = vector.broadcast %div3A_62 : vector<2048x1xf32> to vector<2048x64xf32>
    %sub3A_63 = arith.subf %add3A_58, %sub3A : vector<2048x64xf32>
    %integer_pow3A = arith.mulf %sub3A_63, %sub3A_63 : vector<2048x64xf32>
    %reduce_sum3A_64 = arith.constant dense<0.000000e+00> : vector<2048xf32>
    %reduce_sum3A_65 = vector.multi_reduction <add>, %integer_pow3A, %reduce_sum3A_64 [1] : vector<2048x64xf32> to vector<2048xf32>
    %broadcast_in_dim3A_66 = vector.shape_cast %reduce_sum3A_65 : vector<2048xf32> to vector<2048x1xf32>
    %div3A_67 = arith.constant 6.400000e+01 : f32
    %div3A_68 = vector.broadcast %div3A_67 : f32 to vector<2048x1xf32>
    %div3A_69 = arith.divf %broadcast_in_dim3A_66, %div3A_68 : vector<2048x1xf32>
    %sub3A_70 = vector.broadcast %div3A_62 : vector<2048x1xf32> to vector<2048x64xf32>
    %sub3A_71 = arith.subf %add3A_58, %sub3A_70 : vector<2048x64xf32>
    %add3A_72 = arith.constant 9.99999974E-6 : f32
    %add3A_73 = vector.broadcast %add3A_72 : f32 to vector<2048x1xf32>
    %add3A_74 = arith.addf %div3A_69, %add3A_73 : vector<2048x1xf32>
    %rsqrt3A = math.rsqrt %add3A_74 : vector<2048x1xf32>
    %mul3A = vector.broadcast %rsqrt3A : vector<2048x1xf32> to vector<2048x64xf32>
    %mul3A_75 = arith.mulf %sub3A_71, %mul3A : vector<2048x64xf32>
    %get3A_76 = arith.constant 0 : index
    %get3A_77 = arith.constant 0 : index
    %get3A_78 = vector.load %arg5[%get3A_76, %get3A_77] : memref<1x64xf32, #tpu.memory_space<vmem>>, vector<1x64xf32>
    %mul3A_79 = vector.broadcast %get3A_78 : vector<1x64xf32> to vector<2048x64xf32>
    %mul3A_80 = arith.mulf %mul3A_75, %mul3A_79 : vector<2048x64xf32>
    %get3A_81 = arith.constant 0 : index
    %get3A_82 = arith.constant 0 : index
    %get3A_83 = vector.load %arg6[%get3A_81, %get3A_82] : memref<1x64xf32, #tpu.memory_space<vmem>>, vector<1x64xf32>
    %add3A_84 = vector.broadcast %get3A_83 : vector<1x64xf32> to vector<2048x64xf32>
    %add3A_85 = arith.addf %mul3A_80, %add3A_84 : vector<2048x64xf32>
    %max3A = arith.constant 0.000000e+00 : f32
    %max3A_86 = vector.broadcast %max3A : f32 to vector<2048x64xf32>
    %max3A_87 = arith.maximumf %add3A_85, %max3A_86 : vector<2048x64xf32>
    %swap3A = arith.constant 0 : index
    %swap3A_88 = arith.constant 0 : index
    %swap3A_89 = vector.load %arg7[%swap3A, %swap3A_88] : memref<2048x64xf32, #tpu.memory_space<vmem>>, vector<2048x64xf32>
    tpu.vector_store %arg7[%swap3A, %swap3A_88], %max3A_87 {strides = array<i32>} : memref<2048x64xf32, #tpu.memory_space<vmem>>, vector<2048x64xf32>,
    return
  }
  func.func @transform_0(%arg0: i32) -> (i32, i32) {
    %c0_i32 = arith.constant 0 : i32
    %c0_i32_0 = arith.constant 0 : i32
    return %arg0, %c0_i32 : i32, i32
  }
  func.func @transform_1(%arg0: i32) -> (i32, i32) {
    %c0_i32 = arith.constant 0 : i32
    %c0_i32_0 = arith.constant 0 : i32
    return %arg0, %c0_i32 : i32, i32
  }
  func.func @transform_2(%arg0: i32) -> (i32, i32) {
    %c0_i32 = arith.constant 0 : i32
    %c0_i32_0 = arith.constant 0 : i32
    %c0_i32_1 = arith.constant 0 : i32
    return %c0_i32, %c0_i32_0 : i32, i32
  }
  func.func @transform_3(%arg0: i32) -> (i32, i32) {
    %c0_i32 = arith.constant 0 : i32
    %c0_i32_0 = arith.constant 0 : i32
    %c0_i32_1 = arith.constant 0 : i32
    return %c0_i32, %c0_i32_0 : i32, i32
  }
  func.func @transform_4(%arg0: i32) -> (i32, i32) {
    %c0_i32 = arith.constant 0 : i32
    %c0_i32_0 = arith.constant 0 : i32
    %c0_i32_1 = arith.constant 0 : i32
    return %c0_i32, %c0_i32_0 : i32, i32
  }
  func.func @transform_5(%arg0: i32) -> (i32, i32) {
    %c0_i32 = arith.constant 0 : i32
    %c0_i32_0 = arith.constant 0 : i32
    %c0_i32_1 = arith.constant 0 : i32
    return %c0_i32, %c0_i32_0 : i32, i32
  }
  func.func @transform_6(%arg0: i32) -> (i32, i32) {
    %c0_i32 = arith.constant 0 : i32
    %c0_i32_0 = arith.constant 0 : i32
    return %arg0, %c0_i32 : i32, i32
  }
}

module attributes {stable_mosaic.version = 14 : i64} {
  func.func @_relayout_body(%arg0: i32, %arg1: memref<32x8192xf32, #tpu.memory_space<vmem>>, %arg2: memref<32x8192xf32, #tpu.memory_space<vmem>>, %arg3: memref<32x8192xf32, #tpu.memory_space<vmem>>, %arg4: memref<32x8192xf32, #tpu.memory_space<vmem>>, %arg5: memref<8192x128xf32, #tpu.memory_space<vmem>>) attributes {dimension_semantics = [#tpu.dimension_semantics<arbitrary>], iteration_bounds = array<i64: 31>, scalar_prefetch = 0 : i64, scratch_operands = 0 : i64, tpu.core_type = #tpu.core_type<tc>, window_params = [{transform_indices = @transform_0, window_bounds = array<i64: 32, 8192>}, {transform_indices = @transform_1, window_bounds = array<i64: 32, 8192>}, {transform_indices = @transform_2, window_bounds = array<i64: 32, 8192>}, {transform_indices = @transform_3, window_bounds = array<i64: 32, 8192>}, {transform_indices = @transform_4, window_bounds = array<i64: 8192, 128>}]} {
    %iota3A = tpu.iota {dimensions = array<i32: 1>} : vector<32x8192xi32>
    %add3A = arith.constant 0 : i32
    %add3A_0 = arith.addi %arg0, %add3A : i32
    %min3A = arith.constant 122 : i32
    %min3A_1 = arith.minsi %add3A_0, %min3A : i32
    %mul3A = arith.constant 8192 : i32
    %mul3A_2 = arith.muli %min3A_1, %mul3A : i32
    %add3A_3 = vector.broadcast %mul3A_2 : i32 to vector<32x8192xi32>
    %add3A_4 = arith.addi %add3A_3, %iota3A : vector<32x8192xi32>
    %lt3A = arith.constant 1000001 : i32
    %lt3A_5 = vector.broadcast %lt3A : i32 to vector<32x8192xi32>
    %lt3A_6 = arith.cmpi slt, %add3A_4, %lt3A_5 : vector<32x8192xi32>
    %get3A = arith.constant 0 : index
    %get3A_7 = arith.constant 0 : index
    %get3A_8 = vector.load %arg1[%get3A, %get3A_7] : memref<32x8192xf32, #tpu.memory_space<vmem>>, vector<32x8192xf32>
    %jit3A = arith.constant 0.000000e+00 : f32
    %broadcast_in_dim3A = vector.broadcast %jit3A : f32 to vector<32x8192xf32>
    %select_n3A = arith.select %lt3A_6, %get3A_8, %broadcast_in_dim3A : vector<32x8192xi1>, vector<32x8192xf32>
    %add3A_9 = arith.constant 31 : i32
    %add3A_10 = arith.addi %arg0, %add3A_9 : i32
    %min3A_11 = arith.constant 122 : i32
    %min3A_12 = arith.minsi %add3A_10, %min3A_11 : i32
    %mul3A_13 = arith.constant 8192 : i32
    %mul3A_14 = arith.muli %min3A_12, %mul3A_13 : i32
    %add3A_15 = vector.broadcast %mul3A_14 : i32 to vector<32x8192xi32>
    %add3A_16 = arith.addi %add3A_15, %iota3A : vector<32x8192xi32>
    %lt3A_17 = arith.constant 1000001 : i32
    %lt3A_18 = vector.broadcast %lt3A_17 : i32 to vector<32x8192xi32>
    %lt3A_19 = arith.cmpi slt, %add3A_16, %lt3A_18 : vector<32x8192xi32>
    %get3A_20 = arith.constant 0 : index
    %get3A_21 = arith.constant 0 : index
    %get3A_22 = vector.load %arg2[%get3A_20, %get3A_21] : memref<32x8192xf32, #tpu.memory_space<vmem>>, vector<32x8192xf32>
    %jit3A_23 = arith.constant 0.000000e+00 : f32
    %broadcast_in_dim3A_24 = vector.broadcast %jit3A_23 : f32 to vector<32x8192xf32>
    %select_n3A_25 = arith.select %lt3A_19, %get3A_22, %broadcast_in_dim3A_24 : vector<32x8192xi1>, vector<32x8192xf32>
    %add3A_26 = arith.constant 62 : i32
    %add3A_27 = arith.addi %arg0, %add3A_26 : i32
    %min3A_28 = arith.constant 122 : i32
    %min3A_29 = arith.minsi %add3A_27, %min3A_28 : i32
    %mul3A_30 = arith.constant 8192 : i32
    %mul3A_31 = arith.muli %min3A_29, %mul3A_30 : i32
    %add3A_32 = vector.broadcast %mul3A_31 : i32 to vector<32x8192xi32>
    %add3A_33 = arith.addi %add3A_32, %iota3A : vector<32x8192xi32>
    %lt3A_34 = arith.constant 1000001 : i32
    %lt3A_35 = vector.broadcast %lt3A_34 : i32 to vector<32x8192xi32>
    %lt3A_36 = arith.cmpi slt, %add3A_33, %lt3A_35 : vector<32x8192xi32>
    %get3A_37 = arith.constant 0 : index
    %get3A_38 = arith.constant 0 : index
    %get3A_39 = vector.load %arg3[%get3A_37, %get3A_38] : memref<32x8192xf32, #tpu.memory_space<vmem>>, vector<32x8192xf32>
    %jit3A_40 = arith.constant 0.000000e+00 : f32
    %broadcast_in_dim3A_41 = vector.broadcast %jit3A_40 : f32 to vector<32x8192xf32>
    %select_n3A_42 = arith.select %lt3A_36, %get3A_39, %broadcast_in_dim3A_41 : vector<32x8192xi1>, vector<32x8192xf32>
    %add3A_43 = arith.constant 93 : i32
    %add3A_44 = arith.addi %arg0, %add3A_43 : i32
    %min3A_45 = arith.constant 122 : i32
    %min3A_46 = arith.minsi %add3A_44, %min3A_45 : i32
    %mul3A_47 = arith.constant 8192 : i32
    %mul3A_48 = arith.muli %min3A_46, %mul3A_47 : i32
    %add3A_49 = vector.broadcast %mul3A_48 : i32 to vector<32x8192xi32>
    %add3A_50 = arith.addi %add3A_49, %iota3A : vector<32x8192xi32>
    %lt3A_51 = arith.constant 1000001 : i32
    %lt3A_52 = vector.broadcast %lt3A_51 : i32 to vector<32x8192xi32>
    %lt3A_53 = arith.cmpi slt, %add3A_50, %lt3A_52 : vector<32x8192xi32>
    %get3A_54 = arith.constant 0 : index
    %get3A_55 = arith.constant 0 : index
    %get3A_56 = vector.load %arg4[%get3A_54, %get3A_55] : memref<32x8192xf32, #tpu.memory_space<vmem>>, vector<32x8192xf32>
    %jit3A_57 = arith.constant 0.000000e+00 : f32
    %broadcast_in_dim3A_58 = vector.broadcast %jit3A_57 : f32 to vector<32x8192xf32>
    %select_n3A_59 = arith.select %lt3A_53, %get3A_56, %broadcast_in_dim3A_58 : vector<32x8192xi1>, vector<32x8192xf32>
    %concatenate3A = tpu.concatenate %select_n3A, %select_n3A_25, %select_n3A_42, %select_n3A_59 in 0 : vector<32x8192xf32>, vector<32x8192xf32>, vector<32x8192xf32>, vector<32x8192xf32> -> vector<128x8192xf32>
    %iota3A_60 = tpu.iota {dimensions = array<i32: 0>} : vector<128x128xi32>
    %iota3A_61 = tpu.iota {dimensions = array<i32: 1>} : vector<128x128xi32>
    %eq3A = arith.cmpi eq, %iota3A_60, %iota3A_61 : vector<128x128xi32>
    %convert_element_type3A = arith.extui %eq3A : vector<128x128xi1> to vector<128x128xi32>
    %convert_element_type3A_62 = arith.sitofp %convert_element_type3A : vector<128x128xi32> to vector<128x128xf32>
    %dot_general3A = arith.constant dense<0.000000e+00> : vector<8192x128xf32>
    %dot_general3A_63 = tpu.matmul %concatenate3A, %convert_element_type3A_62, %dot_general3A {dimension_numbers = #tpu.dot_dimension_numbers<[0], [0], [1], [1], [0, 1, 1, 1], [], []>, transpose_lhs_hint = true} : vector<128x8192xf32>, vector<128x128xf32>, vector<8192x128xf32> -> vector<8192x128xf32>
    %swap3A = arith.constant 0 : index
    %swap3A_64 = arith.constant 0 : index
    %swap3A_65 = vector.load %arg5[%swap3A, %swap3A_64] : memref<8192x128xf32, #tpu.memory_space<vmem>>, vector<8192x128xf32>
    tpu.vector_store %arg5[%swap3A, %swap3A_64], %dot_general3A_63 {strides = array<i32>} : memref<8192x128xf32, #tpu.memory_space<vmem>>, vector<8192x128xf32>,
    return
  }
  func.func @transform_0(%arg0: i32) -> (i32, i32) {
    %add3A = arith.constant 0 : i32
    %add3A_0 = arith.addi %arg0, %add3A : i32
    %min3A = arith.constant 122 : i32
    %min3A_1 = arith.minsi %add3A_0, %min3A : i32
    %c0_i32 = arith.constant 0 : i32
    %c0_i32_2 = arith.constant 0 : i32
    return %c0_i32, %min3A_1 : i32, i32
  }
  func.func @transform_1(%arg0: i32) -> (i32, i32) {
    %add3A = arith.constant 31 : i32
    %add3A_0 = arith.addi %arg0, %add3A : i32
    %min3A = arith.constant 122 : i32
    %min3A_1 = arith.minsi %add3A_0, %min3A : i32
    %c0_i32 = arith.constant 0 : i32
    %c0_i32_2 = arith.constant 0 : i32
    return %c0_i32, %min3A_1 : i32, i32
  }
  func.func @transform_2(%arg0: i32) -> (i32, i32) {
    %add3A = arith.constant 62 : i32
    %add3A_0 = arith.addi %arg0, %add3A : i32
    %min3A = arith.constant 122 : i32
    %min3A_1 = arith.minsi %add3A_0, %min3A : i32
    %c0_i32 = arith.constant 0 : i32
    %c0_i32_2 = arith.constant 0 : i32
    return %c0_i32, %min3A_1 : i32, i32
  }
  func.func @transform_3(%arg0: i32) -> (i32, i32) {
    %add3A = arith.constant 93 : i32
    %add3A_0 = arith.addi %arg0, %add3A : i32
    %min3A = arith.constant 122 : i32
    %min3A_1 = arith.minsi %add3A_0, %min3A : i32
    %c0_i32 = arith.constant 0 : i32
    %c0_i32_2 = arith.constant 0 : i32
    return %c0_i32, %min3A_1 : i32, i32
  }
  func.func @transform_4(%arg0: i32) -> (i32, i32) {
    %c0_i32 = arith.constant 0 : i32
    %c0_i32_0 = arith.constant 0 : i32
    return %arg0, %c0_i32 : i32, i32
  }
}

</mosaic_0001>

<sc_bundles>
// kernel: kernel.5.cloned.1.call-start
scs
__scs_entry_jumppad:
0x0: {  	(pc) =	sbr.rel $0x88, $3  }
0x1: {  	(tag) =	ssettag $0x0;
	lr =	simm.s32 $0x1  }
0x2: {  	[smem:$0x3F9B] =	sst lr;
	_ =	strace $0xD0000000  }
0x3: {  	_ = 	snop  }
0x4: {  	_ = 	snop  }
0x5: {  	_ = 	snop  }
0x6: {  	_ = 	snop  }
0x7: {  	_ = 	snop  }
__scs_overlays_trampoline_lowered:
0x8: {  	[smem:$0x3FAA] =	sst s0  }
0x9: {  	[smem:$0x3FAB] =	sst s1  }
0xa: {  	[smem:$0x3FAC] =	sst s2  }
0xb: {  	[smem:$0x3FAD] =	sst s3  }
0xc: {  	[smem:$0x3FAE] =	sst s4  }
0xd: {  	[smem:$0x3FAF] =	sst s5  }
0xe: {  	[smem:$0x3FB0] =	sst s6  }
0xf: {  	[smem:$0x3FB1] =	sst s7  }
0x10: {  	[smem:$0x3FB2] =	sst s8  }
0x11: {  	[smem:$0x3FB3] =	sst s9;
	s0 =	simm.s32 @!p0 $0x0  }
0x12: {  	s1 =	sld [smem:$0x3F99];
	s0 =	simm.s32 @p0 $0x1  }
0x13: {  	[smem:$0x3FB4] =	sst s0;
	s0 =	simm.s32 @!p1 $0x0  }
0x14: {  	s2 =	sld [smem:$0x3F98];
	s0 =	simm.s32 @p1 $0x1  }
0x15: {  	[smem:$0x3FB5] =	sst s0;
	s0 =	simm.s32 @!p2 $0x0  }
0x16: {  	s3 =	sld [smem:$0x3FDB];
	s0 =	simm.s32 @p2 $0x1  }
0x17: {  	s4 =	simm.s32 $0x1BF5;
	[smem:$0x3FB7] =	sst s0  }
0x18: {  	s0 =	sld [smem:$0x3F9A];
	_ =	swait.ge [sflag:s4], $0x0  }
0x19: {  	s7 =	sld [smem:$0x3F9B]  }
0x1a: {  	s8 =	sadd.s32 $0xFFFFE003, lr  }
0x1b: {  	s9 =	sadd.s32 $0xFFFFFEF7, lr;
	s5 =	simm.s32 $0xFFFFFFFF;
	p2 =	slt.u32 s8, $0xFFFFF086  }
0x1c: {  	p1 =	slt.u32 s9, $0xF7A;
	s5 =	simm.s32 @!p2 $0x0  }
0x1d: {  	s5 =	simm.s32 @p1 $0x1;
	p0 =	seq.s32 s7, s2  }
0x1e: {  	s7 =	smul.u32 @!p0 $0xF7A, s2;
	p2 =	seq.s32 @!p0 s5, $0x0  }
0x1f: {  	s9 =	smul.u32 $0xF7A, s1;
	s8 =	simm.s32 @!p0 $0x1BF5;
	p2 =	por !p2, p0  }
0x20: {  	[sflag:s8] =	ssyncset.s32 @!p0 $0xFFFFF086;
	s6 =	sadd.s32 @!p0 s3, s7;
	s7 =	simm.s32 @!p0 $0x108  }
0x21: {  	s3 =	sadd.s32 s3, s9;
	s6 =	sadd.s32 @!p0 $0x88, s6;
	s7 =	simm.s32 @p2 $0x1082  }
0x22: {  	[simem:s7], [sflag:s8] =	dma.local @!p0 [hbm:s6], $0xF7A  }
0x23: {  	s9 =	sor.u32 $0xD0000000, s2;
	s6 =	simm.s32 $0x108;
	_ =	swait.ge @!p0 [sflag:s8], $0x0  }
0x24: {  	s3 =	sadd.s32 $0x88, s3;
	s6 =	simm.s32 @!p1 $0x1082;
	[sflag:s4] =	ssyncset.s32 $0xFFFFF086  }
0x25: {  	[simem:s6], [sflag:s4] =	dma.local [hbm:s3], $0xF7A  }
0x26: {  	[smem:$0x3F9B] =	sst s1;
	(tag) =	ssettag s2;
	_ =	strace s9  }
0x27: {  	s1 =	sld [smem:$0x3FAB]  }
0x28: {  	s2 =	sld [smem:$0x3FAC]  }
0x29: {  	s4 =	sld [smem:$0x3FAE]  }
0x2a: {  	p0 =	seq.s32 s5, $0x0;
	s5 =	sld [smem:$0x3FAF]  }
0x2b: {  	s6 =	sld [smem:$0x3FB0]  }
0x2c: {  	s7 =	sld [smem:$0x3FB1]  }
0x2d: {  	s3 =	simm.s32 $0x108;
	s8 =	sld [smem:$0x3FB2]  }
0x2e: {  	s3 =	simm.s32 @!p0 $0x1082;
	s9 =	sld [smem:$0x3FB3]  }
0x2f: {  	lr =	sadd.s32 s0, s3;
	s0 =	sld [smem:$0x3FAA]  }
0x30: {  	s3 =	sld [smem:$0x3FAD]  }
0x31: {  	[smem:$0x3FB6] =	sst s10  }
0x32: {  	s10 =	sld [smem:$0x3FB4];
	_ =	sdelay $0x3  }
0x33: {  	p0 =	seq.s32 s10, $0x1;
	s10 =	sld [smem:$0x3FB6];
	_ =	sdelay $0x3  }
0x34: {  	[smem:$0x3FB6] =	sst s10  }
0x35: {  	s10 =	sld [smem:$0x3FB5];
	_ =	sdelay $0x3  }
0x36: {  	p1 =	seq.s32 s10, $0x1;
	s10 =	sld [smem:$0x3FB6];
	_ =	sdelay $0x3  }
0x37: {  	[smem:$0x3FB6] =	sst s10  }
0x38: {  	s10 =	sld [smem:$0x3FB7]  }
0x39: {  	_ = 	snop;
	(pc) =	sbr.ind lr, $3  }
0x3a: {  	_ = 	snop  }
0x3b: {  	_ = 	snop  }
0x3c: {  	p2 =	seq.s32 s10, $0x1;
	s10 =	sld [smem:$0x3FB6]  }
0x3d: {  	_ =	shalt  }
0x3e: {  	_ =	shalt  }
0x3f: {  	_ =	shalt  }
0x40: {  	_ =	shalt  }
0x41: {  	_ =	shalt  }
0x42: {  	_ =	shalt  }
0x43: {  	_ =	shalt  }
0x44: {  	_ =	shalt  }
0x45: {  	_ =	shalt  }
0x46: {  	_ =	shalt  }
0x47: {  	_ =	shalt  }
0x48: {  	_ =	shalt  }
0x49: {  	_ =	shalt  }
0x4a: {  	_ =	shalt  }
0x4b: {  	_ =	shalt  }
0x4c: {  	_ =	shalt  }
0x4d: {  	_ =	shalt  }
0x4e: {  	_ =	shalt  }
0x4f: {  	_ =	shalt  }
0x50: {  	_ =	shalt  }
0x51: {  	_ =	shalt  }
0x52: {  	_ =	shalt  }
0x53: {  	_ =	shalt  }
0x54: {  	_ =	shalt  }
0x55: {  	_ =	shalt  }
0x56: {  	_ =	shalt  }
0x57: {  	_ =	shalt  }
0x58: {  	_ =	shalt  }
0x59: {  	_ =	shalt  }
0x5a: {  	_ =	shalt  }
0x5b: {  	_ =	shalt  }
0x5c: {  	_ =	shalt  }
0x5d: {  	_ =	shalt  }
0x5e: {  	_ =	shalt  }
0x5f: {  	_ =	shalt  }
0x60: {  	_ =	shalt  }
0x61: {  	_ =	shalt  }
0x62: {  	_ =	shalt  }
0x63: {  	_ =	shalt  }
0x64: {  	_ =	shalt  }
0x65: {  	_ =	shalt  }
0x66: {  	_ =	shalt  }
0x67: {  	_ =	shalt  }
0x68: {  	_ =	shalt  }
0x69: {  	_ =	shalt  }
0x6a: {  	_ =	shalt  }
0x6b: {  	_ =	shalt  }
0x6c: {  	_ =	shalt  }
0x6d: {  	_ =	shalt  }
0x6e: {  	_ =	shalt  }
0x6f: {  	_ =	shalt  }
0x70: {  	_ =	shalt  }
0x71: {  	_ =	shalt  }
0x72: {  	_ =	shalt  }
0x73: {  	_ =	shalt  }
0x74: {  	_ =	shalt  }
0x75: {  	_ =	shalt  }
0x76: {  	_ =	shalt  }
0x77: {  	_ =	shalt  }
0x78: {  	_ =	shalt  }
0x79: {  	_ =	shalt  }
0x7a: {  	_ =	shalt  }
0x7b: {  	_ =	shalt  }
0x7c: {  	_ =	shalt  }
0x7d: {  	_ =	shalt  }
0x7e: {  	_ =	shalt  }
0x7f: {  	_ =	shalt  }
0x80: {  	_ =	shalt  }
0x81: {  	_ =	shalt  }
0x82: {  	_ =	shalt  }
0x83: {  	_ =	shalt  }
0x84: {  	_ =	shalt  }
0x85: {  	_ =	shalt  }
0x86: {  	_ =	shalt  }
0x87: {  	_ =	shalt  }
.Lfunc_end0:
.L_simem_size_0:
called_computation_lowered:
.L_overlay_start_0:
0x88: {  	s2 =	sld [smem:$0x3FD9]  }
0x89: {  	s3 =	sld [smem:$0x3FFE];
	_ =	sdelay $0x1  }
0x8a: {  	s1 =	srdreg.scid  }
0x8b: {  	s0 =	sand.u32 $0x1, s1  }
0x8c: {  	s17 =	sshll.u32 s0, $0xA;
	s2 =	sadd.s32 s3, s2  }
0x8d: {  	s2 =	sadd.s32 s2, s17  }
0x8e: {  	[smem:$0x3FC2] =	sst s2  }
0x8f: {  	_ = 	snop  }
0x90: {  	s2 =	sld [smem:$0x3FC9];
	(tm) =	ssettm $0x1  }
0x91: {  	s18 =	sld [smem:$0x3FFB];
	_ =	sdelay $0x3  }
0x92: {  	_ =	strace s18  }
0x93: {  	s3 =	sld [smem:$0x3FFC];
	_ =	sdelay $0x3  }
0x94: {  	_ =	strace s3  }
0x95: {  	s3 =	sld [smem:$0x3FFD];
	_ =	sdelay $0x3  }
0x96: {  	_ =	strace s3  }
0x97: {  	_ =	strace $0x8FFFFFFF  }
0x98: {  	s19 =	sld [smem:$0x3FDB];
	_ =	sdelay $0x1  }
0x99: {  	s4 =	simm.s32 $_scs_section_size  }
0x9a: {  	s5 =	simm.s32 $_size__tile_overlayer_lowered;
	s6 =	simm.s32 $_tile_overlayer_lowered  }
0x9b: {  	s22 =	simm.s32 $0x1BFF;
	s21 =	sshll.u32 s6, $0x1;
	s3 =	sadd.s32 s4, s19  }
0x9c: {  	s7 =	simm.s32 $0x0;
	s20 =	sshll.u32 s5, $0x1;
	s5 =	sadd.s32 s21, s3  }
0x9d: {  	[timem:s7], [sflag:s22] =	dma.local [hbm:s5], s20  }
0x9e: {  	_ =	swait.ge [sflag:s22], s20  }
0x9f: {  	s4 =	ssub.s32 $0x0, s20;
	[sflag:s22] =	ssyncset.done $0x0  }
0xa0: {  	[sflag:s22] =	ssyncadd.s32 s4;
	_ =	sdelay $0x1  }
0xa1: {  	s23 =	simm.s32 $0x1B8B  }
0xa2: {  	_ =	swait.ge [sflag:s23], $0x1  }
0xa3: {  	[sflag:s23] =	ssyncset.done $0x0  }
0xa4: {  	s25 =	simm.s32 $0x1B8E;
	s24 =	sld [smem:$0x3FFE];
	[sflag:s23] =	ssyncadd.s32 $0xFFFFFFFF  }
0xa5: {  	s26 =	simm.s32 $execute0_lowered;
	[smem:$0x3FD2] =	sst s25  }
0xa6: {  	s5 =	sshll.u32 s26, $0x1;
	_ =	strace $0x80000046;
	[dreg:$0x1] =	wrdreg $0xFFFFFFFF  }
0xa7: {  	s28 =	simm.s32 $_size_execute0_lowered;
	s3 =	sadd.s32 s3, s5;
	[dreg:$0x0] =	wrdreg $0x0  }
0xa8: {  	s5 =	sshll.u32 s28, $0x1;
	[dreg:$0x2] =	wrdreg s3  }
0xa9: {  	[dreg:$0x3] =	wrdreg s5  }
0xaa: {  	[dreg:$0x4] =	wrdreg $0xC0  }
0xab: {  	_ =	task [dreg:s7], $0x5FFFF  }
0xac: {  	[dreg:$0x1] =	wrdreg $0xFFFFFFFF  }
0xad: {  	[dreg:$0x0] =	wrdreg $0x60  }
0xae: {  	[dreg:$0x2] =	wrdreg s2  }
0xaf: {  	[dreg:$0x3] =	wrdreg s24  }
0xb0: {  	[dreg:$0x4] =	wrdreg $0x9  }
0xb1: {  	_ =	task.clear_ibuf [dreg:s7], $0x5FFFF;
	_ =	strace $0x90000046  }
0xb2: {  	s29 =	simm.s32 $0x9;
	_ =	strace $0x80000048  }
0xb3: {  	_ =	swait.ge [sflag:s29], $0x1  }
0xb4: {  	[sflag:s29] =	ssyncadd.s32 $0xFFFFFFFF  }
0xb5: {  	_ =	strace $0x90000048  }
0xb6: {  	_ =	sfence  }
0xb7: {  	s30 =	sld [smem:$0x0];
	_ =	sdelay $0x2  }
0xb8: {  	s31 =	sshll.u32 s1, $0xD;
	s1 =	sshrl.u32 s1, $0x2  }
0xb9: {  	s3 =	sand.u32 $0x4000, s31;
	s1 =	sadd.s32 s1, s30  }
0xba: {  	s0 =	sor.u32 s3, s0;
	s1 =	sshll.u32 s1, $0x11  }
0xbb: {  	s0 =	sor.u32 s1, s0  }
0xbc: {  	s0 =	sadd.s32 $0x8F2B, s0  }
0xbd: {  	[sflag:s0] =	ssyncadd.remote.s32 $0x1  }
0xbe: {  	_ =	sfence.sel $0xFFFF  }
0xbf: {  	[dreg:$0x0] =	wrdreg $0xFFFFFFFF;
	(pc) =	sbr.abs _section_cstart, $3  }
0xc0: {  	[dreg:$0x1] =	wrdreg $0xFFFFFFFF  }
0xc1: {  	_ =	task.clear_ibuf [dreg:s7], $0x2FFFF;
	_ =	strace $0x9FFFFFFF  }
0xc2: {  	(tm) =	ssettm $0x7FFFFFFF  }
0xc3: {  	_ =	shalt  }
tec
execute0_lowered:
.L_overlay_start_1:
0x0: {  	(tag) =	ssettag $0x1  }
0x1: {  	s4 =	rddreg [dreg:$0x0]  }
0x2: {  	s5 =	rddreg [dreg:$0x1]  }
0x3: {  	s0 =	rddreg [dreg:$0x2];
	s2 =	simm.s32 $0x0;
	s3 =	srdreg.scid  }
0x4: {  	s1 =	stileid.u32;
	s9 =	simm.s32 $0x200;
	s10 =	simm.s32 $0x400  }
0x5: {  	s11 =	simm.s32 $0x280;
	s12 =	simm.s32 $0x4400;
	s13 =	simm.s32 $0x300  }
0x6: {  	s14 =	simm.s32 $0x8400;
	s15 =	simm.s32 $0x380;
	s16 =	simm.s32 $0xC400  }
0x7: {  	s17 =	simm.s32 $0x1;
	s6 =	sand.u32 $0x1, s3;
	s30 =	sshll.u32 s1, $0x1  }
0x8: {  	[smem:$0x7FF] =	sst s2;
	s3 =	sadd.s32 $0x1000, s5;
	s7 =	sor.u32 s6, s30  }
0x9: {  	_ =	strace $0x80000047;
	s6 =	ssub.s32 $0x2, s6;
	s8 =	sshll.u32 s7, $0xD  }
0xa: {  	s31 =	sshrl.u32 s6, $0x1;
	s7 =	sshll.u32 s7, $0x6;
	s5 =	sadd.s32 s8, s5  }
0xb: {  	s6 =	ssub.s32 s6, s31;
	s4 =	sadd.s32 s4, s7;
	s7 =	simm.s32 $0x2  }
0xc: {  	v0 =	vimm.s32 $0x0;
	s8 =	simm.s32 $0x80;
	s5 =	sadd.s32 $0x3E1000, s5;
	s6 =	smax.u32 s6, $0x1  }
.LBB2_1:
0xd: {  	[tilespmem:s2], [sflag:$0x2] =	stream.linear.gather [hbm4b:s4+s2], $0x200, $0x38;
	[tilespmem:$0x10400] =	vst v63  }
0xe: {  	_ =	swait.ge [sflag:s7], $0x200  }
0xf: {  	[sflag:s7] =	ssyncset.done $0x0  }
0x10: {  	[sflag:s7] =	ssyncadd.s32 $0xFFFFFE00  }
0x11: {  	v1 =	vld [tilespmem:$0x0]  }
0x12: {  	v2 =	vld [tilespmem:$0x10]  }
0x13: {  	v5 =	vld [tilespmem:$0x20]  }
0x14: {  	v28 =	vld [tilespmem:$0x30]  }
0x15: {  	v29 =	vld [tilespmem:$0x40]  }
0x16: {  	vm0 =	vgt.s32 v1, $0x3DFFF  }
0x17: {  	vm6 =	vgt.s32 v1, $0x7BFFF;
	vm7 =	vgt.s32 v1, $0xB9FFF;
	vm1 =	vgt.s32 v2, $0x3DFFF  }
0x18: {  	vm8 =	vgt.s32 v2, $0x7BFFF;
	vm9 =	vgt.s32 v2, $0xB9FFF;
	vm10 =	vgt.s32 v5, $0x3DFFF  }
0x19: {  	vm11 =	vgt.s32 v5, $0x7BFFF;
	vm12 =	vgt.s32 v5, $0xB9FFF;
	vm13 =	vgt.s32 v28, $0x3DFFF  }
0x1a: {  	v9 =	vld [tilespmem:$0x50];
	vm14 =	vgt.s32 v28, $0x7BFFF;
	vm15 =	vgt.s32 v28, $0xB9FFF;
	vm4 =	vgt.s32 v29, $0x3DFFF  }
0x1b: {  	v10 =	vld [tilespmem:$0x60];
	vm5 =	vgt.s32 v29, $0x7BFFF;
	v3 =	vsel vm0, $0x1, v0;
	v4 =	vsel vm6, $0x1, v0  }
0x1c: {  	v37 =	vld [tilespmem:$0x70];
	v6 =	vsel vm7, $0x1, v0;
	v7 =	vsel vm1, $0x1, v0;
	v26 =	vsel vm8, $0x1, v0  }
0x1d: {  	v14 =	vld [tilespmem:$0x80];
	v27 =	vsel vm9, $0x1, v0;
	v30 =	vsel vm11, $0x1, v0;
	v31 =	vsel vm12, $0x1, v0  }
0x1e: {  	v32 =	vsel vm13, $0x1, v0;
	v8 =	vsel vm14, $0x1, v0;
	v33 =	vsel vm15, $0x1, v0  }
0x1f: {  	v34 =	vsel vm4, $0x1, v0;
	v12 =	vsel vm5, $0x1, v0;
	vm6 =	vgt.s32 v29, $0xB9FFF  }
0x20: {  	vm7 =	vgt.s32 v9, $0x3DFFF;
	vm8 =	vgt.s32 v9, $0x7BFFF;
	vm9 =	vgt.s32 v9, $0xB9FFF  }
0x21: {  	vm11 =	vgt.s32 v10, $0x7BFFF;
	vm12 =	vgt.s32 v10, $0xB9FFF;
	vm13 =	vgt.s32 v37, $0x3DFFF  }
0x22: {  	v16 =	vld [tilespmem:$0x90];
	vm14 =	vgt.s32 v37, $0x7BFFF;
	vm15 =	vgt.s32 v37, $0xB9FFF;
	vm4 =	vgt.s32 v14, $0x3DFFF  }
0x23: {  	v48 =	vld [tilespmem:$0xA0];
	vm5 =	vgt.s32 v14, $0x7BFFF;
	v3 =	vadd.s32 v4, v3;
	v4 =	vadd.s32 v26, v7  }
0x24: {  	v52 =	vld [tilespmem:$0xB0];
	v35 =	vsel vm6, $0x1, v0;
	v36 =	vsel vm7, $0x1, v0;
	v38 =	vsel vm8, $0x1, v0  }
0x25: {  	v56 =	vld [tilespmem:$0xC0];
	v39 =	vsel vm9, $0x1, v0;
	v40 =	vsel vm11, $0x1, v0;
	v41 =	vsel vm12, $0x1, v0  }
0x26: {  	v15 =	vsel vm13, $0x1, v0;
	v42 =	vsel vm14, $0x1, v0;
	v43 =	vsel vm15, $0x1, v0  }
0x27: {  	v47 =	vsel vm4, $0x1, v0;
	v49 =	vsel vm5, $0x1, v0;
	vm6 =	vgt.s32 v14, $0xB9FFF  }
0x28: {  	vm7 =	vgt.s32 v16, $0x3DFFF;
	vm8 =	vgt.s32 v16, $0x7BFFF;
	vm9 =	vgt.s32 v16, $0xB9FFF  }
0x29: {  	vm11 =	vgt.s32 v48, $0x7BFFF;
	vm12 =	vgt.s32 v48, $0xB9FFF;
	vm13 =	vgt.s32 v52, $0x3DFFF  }
0x2a: {  	vm14 =	vgt.s32 v52, $0x7BFFF;
	vm15 =	vgt.s32 v52, $0xB9FFF;
	vm4 =	vgt.s32 v56, $0x3DFFF  }
0x2b: {  	v59 =	vld [tilespmem:$0xD0];
	vm5 =	vgt.s32 v56, $0x7BFFF;
	v3 =	vadd.s32 v6, v3;
	v4 =	vadd.s32 v27, v4  }
0x2c: {  	v20 =	vld [tilespmem:$0xE0];
	v7 =	vadd.s32 v38, v36;
	v50 =	vsel vm6, $0x1, v0;
	v51 =	vsel vm7, $0x1, v0  }
0x2d: {  	v53 =	vsel vm8, $0x1, v0;
	v54 =	vsel vm9, $0x1, v0;
	v18 =	vsel vm11, $0x1, v0  }
0x2e: {  	v57 =	vsel vm12, $0x1, v0;
	v58 =	vsel vm13, $0x1, v0;
	v60 =	vsel vm14, $0x1, v0  }
0x2f: {  	v61 =	vsel vm15, $0x1, v0;
	v19 =	vsel vm4, $0x1, v0;
	v62 =	vsel vm5, $0x1, v0  }
0x30: {  	vm6 =	vgt.s32 v56, $0xB9FFF;
	vm7 =	vgt.s32 v59, $0x3DFFF;
	vm8 =	vgt.s32 v59, $0x7BFFF  }
0x31: {  	vm9 =	vgt.s32 v59, $0xB9FFF;
	vm11 =	vgt.s32 v20, $0x7BFFF;
	vm12 =	vgt.s32 v20, $0xB9FFF  }
0x32: {  	v3 =	vmul.u32 $0xFFFC2000, v3;
	v4 =	vmul.u32 $0xFFFC2000, v4;
	v7 =	vadd.s32 v39, v7  }
0x33: {  	v63 =	vsel vm6, $0x1, v0;
	v22 =	vsel vm7, $0x1, v0;
	v23 =	vsel vm8, $0x1, v0  }
0x34: {  	v25 =	vsel vm9, $0x1, v0;
	v7 =	vmul.u32 $0xFFFC2000, v7;
	v24 =	vadd.s32 v23, v22  }
0x35: {  	v1 =	vadd.s32 v1, v3;
	v3 =	vsel vm10, $0x1, v0;
	v2 =	vadd.s32 v2, v4  }
0x36: {  	v4 =	vadd.s32 v8, v32;
	v8 =	vadd.s32 v12, v34;
	vm10 =	vgt.s32 v10, $0x3DFFF  }
0x37: {  	v38 =	vld [tilespmem:$0x120];
	v27 =	vadd.s32 v25, v24;
	v32 =	vsel vm12, $0x1, v0;
	v3 =	vadd.s32 v30, v3  }
0x38: {  	v4 =	vadd.s32 v33, v4;
	v13 =	vsel vm10, $0x1, v0;
	v7 =	vadd.s32 v9, v7  }
0x39: {  	v9 =	vadd.s32 v49, v47;
	vm10 =	vgt.s32 v48, $0x3DFFF;
	v3 =	vadd.s32 v31, v3  }
0x3a: {  	v11 =	vmul.u32 $0xFFFC2000, v4;
	v12 =	vadd.s32 v40, v13;
	v13 =	vadd.s32 v42, v15  }
0x3b: {  	v22 =	vld [tilespmem:$0xF0];
	v9 =	vadd.s32 v50, v9;
	v55 =	vsel vm10, $0x1, v0;
	vm10 =	vgt.s32 v20, $0x3DFFF  }
0x3c: {  	v31 =	vsel vm11, $0x1, v0;
	vm11 =	vgt.s32 v38, $0x7BFFF;
	vm12 =	vgt.s32 v38, $0xB9FFF  }
0x3d: {  	v3 =	vmul.u32 $0xFFFC2000, v3;
	v12 =	vadd.s32 v41, v12;
	v45 =	vadd.s32 v43, v13  }
0x3e: {  	v9 =	vmul.u32 $0xFFFC2000, v9;
	v13 =	vadd.s32 v18, v55;
	v18 =	vadd.s32 v62, v19  }
0x3f: {  	v34 =	vld [tilespmem:$0x110];
	v44 =	vmul.u32 $0xFFFC2000, v12;
	v46 =	vmul.u32 $0xFFFC2000, v45;
	v13 =	vadd.s32 v57, v13  }
0x40: {  	vm13 =	vgt.s32 v22, $0x3DFFF;
	vm14 =	vgt.s32 v22, $0x7BFFF;
	vm15 =	vgt.s32 v22, $0xB9FFF  }
0x41: {  	v30 =	vld [tilespmem:$0x100];
	v45 =	vsel vm12, $0x1, v0;
	v4 =	vadd.s32 v5, v3;
	v3 =	vadd.s32 v28, v11  }
0x42: {  	v5 =	vadd.s32 v35, v8;
	v13 =	vmul.u32 $0xFFFC2000, v13;
	v28 =	vmul.u32 $0xFFFC2000, v27  }
0x43: {  	v49 =	vld [tilespmem:$0x150];
	v33 =	vsel vm13, $0x1, v0;
	v35 =	vsel vm14, $0x1, v0;
	v36 =	vsel vm15, $0x1, v0  }
0x44: {  	vm7 =	vgt.s32 v34, $0x3DFFF;
	vm8 =	vgt.s32 v34, $0x7BFFF;
	vm9 =	vgt.s32 v34, $0xB9FFF  }
0x45: {  	v5 =	vmul.u32 $0xFFFC2000, v5;
	v6 =	vadd.s32 v10, v44;
	v10 =	vadd.s32 v53, v51  }
0x46: {  	vm4 =	vgt.s32 v30, $0x3DFFF;
	vm5 =	vgt.s32 v30, $0x7BFFF;
	vm6 =	vgt.s32 v30, $0xB9FFF  }
0x47: {  	v40 =	vsel vm7, $0x1, v0;
	v42 =	vsel vm8, $0x1, v0;
	v43 =	vsel vm9, $0x1, v0  }
0x48: {  	v41 =	vld [tilespmem:$0x130];
	v44 =	vsel vm11, $0x1, v0;
	vm7 =	vgt.s32 v49, $0x3DFFF;
	vm8 =	vgt.s32 v49, $0x7BFFF  }
0x49: {  	vm9 =	vgt.s32 v49, $0xB9FFF;
	v10 =	vadd.s32 v54, v10;
	v11 =	vadd.s32 v59, v28  }
0x4a: {  	v24 =	vsel vm5, $0x1, v0;
	v39 =	vsel vm6, $0x1, v0;
	v57 =	vsel vm7, $0x1, v0  }
0x4b: {  	v59 =	vsel vm8, $0x1, v0;
	v8 =	vadd.s32 v29, v5;
	v5 =	vadd.s32 v37, v46  }
0x4c: {  	v17 =	vmul.u32 $0xFFFC2000, v10;
	v10 =	vadd.s32 v14, v9;
	v29 =	vsel vm10, $0x1, v0  }
0x4d: {  	v37 =	vsel vm4, $0x1, v0;
	vm10 =	vgt.s32 v38, $0x3DFFF;
	vm13 =	vgt.s32 v41, $0x3DFFF  }
0x4e: {  	vm14 =	vgt.s32 v41, $0x7BFFF;
	vm15 =	vgt.s32 v41, $0xB9FFF;
	v15 =	vadd.s32 v31, v29  }
0x4f: {  	v19 =	vadd.s32 v24, v37;
	v25 =	vsel vm10, $0x1, v0;
	v27 =	vsel vm13, $0x1, v0  }
0x50: {  	v54 =	vld [tilespmem:$0x160];
	v46 =	vsel vm14, $0x1, v0;
	v9 =	vadd.s32 v16, v17;
	v16 =	vadd.s32 v60, v58  }
0x51: {  	v15 =	vadd.s32 v32, v15;
	v19 =	vadd.s32 v39, v19;
	v24 =	vadd.s32 v44, v25  }
0x52: {  	v47 =	vadd.s32 v46, v27;
	v60 =	vsel vm9, $0x1, v0;
	v14 =	vadd.s32 v61, v16  }
0x53: {  	v16 =	vadd.s32 v63, v18;
	v15 =	vmul.u32 $0xFFFC2000, v15;
	v19 =	vmul.u32 $0xFFFC2000, v19  }
0x54: {  	v21 =	vmul.u32 $0xFFFC2000, v14;
	v14 =	vadd.s32 v48, v13;
	v26 =	vmul.u32 $0xFFFC2000, v16  }
0x55: {  	v58 =	vld [tilespmem:$0x170];
	v16 =	vadd.s32 v35, v33;
	v48 =	vsel vm15, $0x1, v0;
	vm10 =	vgt.s32 v54, $0x3DFFF  }
0x56: {  	vm11 =	vgt.s32 v54, $0x7BFFF;
	vm12 =	vgt.s32 v54, $0xB9FFF;
	v16 =	vadd.s32 v36, v16  }
0x57: {  	v18 =	vadd.s32 v30, v19;
	v51 =	vadd.s32 v48, v47;
	v61 =	vsel vm10, $0x1, v0  }
0x58: {  	v29 =	vsel vm11, $0x1, v0;
	v62 =	vsel vm12, $0x1, v0;
	v13 =	vadd.s32 v52, v21  }
0x59: {  	v12 =	vadd.s32 v56, v26;
	v23 =	vmul.u32 $0xFFFC2000, v16;
	v16 =	vadd.s32 v20, v15  }
0x5a: {  	v52 =	vmul.u32 $0xFFFC2000, v51;
	v25 =	vadd.s32 v29, v61;
	vm13 =	vgt.s32 v58, $0x3DFFF  }
0x5b: {  	[tilespmem:$0x200] =	vst v1;
	v30 =	vld [tilespmem:$0x190];
	vm14 =	vgt.s32 v58, $0x7BFFF;
	vm15 =	vgt.s32 v58, $0xB9FFF;
	v1 =	vadd.s32 v62, v25  }
0x5c: {  	v26 =	vld [tilespmem:$0x140];
	v15 =	vadd.s32 v22, v23;
	v22 =	vadd.s32 v42, v40;
	v23 =	vadd.s32 v59, v57  }
0x5d: {  	v63 =	vsel vm13, $0x1, v0;
	v33 =	vsel vm14, $0x1, v0;
	v1 =	vmul.u32 $0xFFFC2000, v1  }
0x5e: {  	v48 =	vld [tilespmem:$0x1D0];
	v20 =	vadd.s32 v43, v22;
	v22 =	vadd.s32 v45, v24;
	v23 =	vadd.s32 v60, v23  }
0x5f: {  	v35 =	vadd.s32 v33, v63;
	v20 =	vmul.u32 $0xFFFC2000, v20;
	v50 =	vmul.u32 $0xFFFC2000, v22  }
0x60: {  	v23 =	vmul.u32 $0xFFFC2000, v23;
	vm7 =	vgt.s32 v30, $0x3DFFF;
	vm8 =	vgt.s32 v30, $0x7BFFF  }
0x61: {  	v28 =	vld [tilespmem:$0x180];
	vm9 =	vgt.s32 v30, $0xB9FFF;
	v1 =	vadd.s32 v54, v1;
	vm4 =	vgt.s32 v26, $0x3DFFF  }
0x62: {  	vm5 =	vgt.s32 v26, $0x7BFFF;
	vm6 =	vgt.s32 v26, $0xB9FFF;
	v39 =	vsel vm7, $0x1, v0  }
0x63: {  	v40 =	vsel vm8, $0x1, v0;
	vm7 =	vgt.s32 v48, $0x3DFFF;
	vm8 =	vgt.s32 v48, $0x7BFFF  }
0x64: {  	v17 =	vadd.s32 v34, v20;
	v19 =	vadd.s32 v38, v50;
	v53 =	vsel vm4, $0x1, v0  }
0x65: {  	[tilespmem:$0x210] =	vst v2;
	v20 =	vadd.s32 v41, v52;
	v55 =	vsel vm5, $0x1, v0;
	v56 =	vsel vm6, $0x1, v0  }
0x66: {  	[tilespmem:$0x250] =	vst v7;
	v42 =	vld [tilespmem:$0x1B0];
	v23 =	vadd.s32 v49, v23;
	v34 =	vsel vm15, $0x1, v0;
	vm4 =	vgt.s32 v28, $0x3DFFF  }
0x67: {  	[tilespmem:$0x220] =	vst v4;
	v44 =	vld [tilespmem:$0x1C0];
	vm5 =	vgt.s32 v28, $0x7BFFF;
	vm6 =	vgt.s32 v28, $0xB9FFF;
	v4 =	vadd.s32 v40, v39  }
0x68: {  	[tilespmem:$0x230] =	vst v3;
	v41 =	vsel vm9, $0x1, v0;
	v57 =	vsel vm8, $0x1, v0;
	vm9 =	vgt.s32 v48, $0xB9FFF  }
0x69: {  	[tilespmem:$0x260] =	vst v6;
	v21 =	vadd.s32 v55, v53;
	v2 =	vsel vm4, $0x1, v0;
	v36 =	vsel vm5, $0x1, v0  }
0x6a: {  	[tilespmem:$0x2D0] =	vst v11;
	v3 =	vadd.s32 v34, v35;
	v37 =	vsel vm6, $0x1, v0;
	v4 =	vadd.s32 v41, v4  }
0x6b: {  	[tilespmem:$0x240] =	vst v8;
	vm13 =	vgt.s32 v42, $0x3DFFF;
	vm14 =	vgt.s32 v42, $0x7BFFF;
	vm15 =	vgt.s32 v42, $0xB9FFF  }
0x6c: {  	[tilespmem:$0x270] =	vst v5;
	vm4 =	vgt.s32 v44, $0x3DFFF;
	vm5 =	vgt.s32 v44, $0x7BFFF;
	vm6 =	vgt.s32 v44, $0xB9FFF  }
0x6d: {  	[tilespmem:$0x280] =	vst v10;
	v55 =	vsel vm7, $0x1, v0;
	v21 =	vadd.s32 v56, v21;
	v2 =	vadd.s32 v36, v2  }
0x6e: {  	[tilespmem:$0x290] =	vst v9;
	v3 =	vmul.u32 $0xFFFC2000, v3;
	v4 =	vmul.u32 $0xFFFC2000, v4;
	v47 =	vsel vm13, $0x1, v0  }
0x6f: {  	[tilespmem:$0x2A0] =	vst v14;
	v38 =	vld [tilespmem:$0x1A0];
	v49 =	vsel vm14, $0x1, v0;
	v50 =	vsel vm15, $0x1, v0;
	v51 =	vsel vm4, $0x1, v0  }
0x70: {  	[tilespmem:$0x360] =	vst v1;
	v53 =	vsel vm5, $0x1, v0;
	v54 =	vsel vm6, $0x1, v0;
	v1 =	vadd.s32 v57, v55  }
0x71: {  	[tilespmem:$0x300] =	vst v18;
	v21 =	vmul.u32 $0xFFFC2000, v21;
	v2 =	vadd.s32 v37, v2;
	v8 =	vadd.s32 v49, v47  }
0x72: {  	[tilespmem:$0x2B0] =	vst v13;
	v10 =	vadd.s32 v53, v51;
	v2 =	vmul.u32 $0xFFFC2000, v2;
	v3 =	vadd.s32 v58, v3  }
0x73: {  	[tilespmem:$0x2C0] =	vst v12;
	v52 =	vld [tilespmem:$0x1E0];
	v4 =	vadd.s32 v30, v4;
	v8 =	vadd.s32 v50, v8;
	v10 =	vadd.s32 v54, v10  }
0x74: {  	[tilespmem:$0x2E0] =	vst v16;
	v58 =	vsel vm9, $0x1, v0;
	v21 =	vadd.s32 v26, v21;
	vm10 =	vgt.s32 v38, $0x3DFFF  }
0x75: {  	[tilespmem:$0x2F0] =	vst v15;
	vm11 =	vgt.s32 v38, $0x7BFFF;
	vm12 =	vgt.s32 v38, $0xB9FFF;
	v8 =	vmul.u32 $0xFFFC2000, v8  }
0x76: {  	[tilespmem:$0x310] =	vst v17;
	v56 =	vld [tilespmem:$0x1F0];
	v10 =	vmul.u32 $0xFFFC2000, v10;
	v1 =	vadd.s32 v58, v1;
	v2 =	vadd.s32 v28, v2  }
0x77: {  	[tilespmem:$0x320] =	vst v19;
	v43 =	vsel vm10, $0x1, v0;
	v45 =	vsel vm11, $0x1, v0;
	v46 =	vsel vm12, $0x1, v0  }
0x78: {  	[tilespmem:$0x330] =	vst v20;
	vm10 =	vgt.s32 v52, $0x3DFFF;
	vm11 =	vgt.s32 v52, $0x7BFFF;
	vm12 =	vgt.s32 v52, $0xB9FFF  }
0x79: {  	[tilespmem:$0x350] =	vst v23;
	v1 =	vmul.u32 $0xFFFC2000, v1;
	v5 =	vadd.s32 v45, v43;
	v7 =	vadd.s32 v42, v8  }
0x7a: {  	[tilespmem:$0x370] =	vst v3;
	v59 =	vsel vm10, $0x1, v0;
	v60 =	vsel vm11, $0x1, v0;
	v3 =	vsel vm12, $0x1, v0  }
0x7b: {  	[tilespmem:$0x390] =	vst v4;
	vm13 =	vgt.s32 v56, $0x3DFFF;
	vm14 =	vgt.s32 v56, $0x7BFFF;
	vm15 =	vgt.s32 v56, $0xB9FFF  }
0x7c: {  	[tilespmem:$0x380] =	vst v2;
	v63 =	vadd.s32 v44, v10;
	v5 =	vadd.s32 v46, v5;
	v2 =	vadd.s32 v60, v59  }
0x7d: {  	[tilespmem:$0x340] =	vst v21;
	v61 =	vsel vm13, $0x1, v0;
	v2 =	vadd.s32 v3, v2;
	v3 =	vsel vm14, $0x1, v0  }
0x7e: {  	v62 =	vsel vm15, $0x1, v0;
	[tilespmem:$0x3B0] =	vst v7;
	v5 =	vmul.u32 $0xFFFC2000, v5;
	v3 =	vadd.s32 v3, v61  }
0x7f: {  	[tilespmem:$0x3C0] =	vst v63;
	v1 =	vadd.s32 v48, v1;
	v2 =	vmul.u32 $0xFFFC2000, v2;
	v3 =	vadd.s32 v62, v3  }
0x80: {  	[tilespmem:$0x3D0] =	vst v1;
	v5 =	vadd.s32 v38, v5;
	v3 =	vmul.u32 $0xFFFC2000, v3  }
0x81: {  	[tilespmem:$0x3A0] =	vst v5;
	v1 =	vadd.s32 v52, v2  }
0x82: {  	[tilespmem:$0x3E0] =	vst v1;
	v1 =	vadd.s32 v56, v3  }
0x83: {  	[tilespmem:$0x3F0] =	vst v1  }
0x84: {  	[tilespmem:s10], [sflag:$0x1] =	stream.indirect.gather [hbm4b:s3+s8], $0x80, s9, s8, $0xb8;
	[tilespmem:$0x10400] =	vst v63  }
0x85: {  	_ = 	snop  }
0x86: {  	[tilespmem:s12], [sflag:$0x1] =	stream.indirect.gather [hbm4b:s3+s8], $0x80, s11, s8, $0xb8;
	[tilespmem:$0x10400] =	vst v63  }
0x87: {  	_ = 	snop  }
0x88: {  	[tilespmem:s14], [sflag:$0x1] =	stream.indirect.gather [hbm4b:s3+s8], $0x80, s13, s8, $0xb8;
	[tilespmem:$0x10400] =	vst v63  }
0x89: {  	_ = 	snop  }
0x8a: {  	[tilespmem:s16], [sflag:$0x1] =	stream.indirect.gather [hbm4b:s3+s8], $0x80, s15, s8, $0xb8;
	[tilespmem:$0x10400] =	vst v63  }
0x8b: {  	_ =	swait.ge [sflag:s17], $0x4000  }
0x8c: {  	[sflag:s17] =	ssyncset.done $0x0  }
0x8d: {  	[sflag:s17] =	ssyncadd.s32 $0xFFFFC000  }
0x8e: {  	_ =	swait.ge [sflag:s17], $0x4000  }
0x8f: {  	[sflag:s17] =	ssyncset.done $0x0  }
0x90: {  	[sflag:s17] =	ssyncadd.s32 $0xFFFFC000  }
0x91: {  	_ =	swait.ge [sflag:s17], $0x4000  }
0x92: {  	[sflag:s17] =	ssyncset.done $0x0  }
0x93: {  	[sflag:s17] =	ssyncadd.s32 $0xFFFFC000  }
0x94: {  	_ =	swait.ge [sflag:s17], $0x4000  }
0x95: {  	p0 =	sne.s32 s6, $0x1;
	[sflag:s17] =	ssyncset.done $0x0  }
.Ltmp0:
0x96: {  	[sflag:s17] =	ssyncadd.s32 $0xFFFFC000;
	(pc) =	sbr.rel @p0 .LBB2_1-.Ltmp0, $4  }
0x97: {  	[hbm4b:s5+s2] =	stream.linear.scatter [tilespmem:s10], [sflag:$0x2], $0x10000, $0x38;
	[tilespmem:$0x10400] =	vst v63  }
0x98: {  	_ =	swait.ge [sflag:s7], $0x10000  }
0x99: {  	[sflag:s7] =	ssyncset.done $0x0  }
0x9a: {  	s6 =	sadd.s32 $0xFFFFFFFF, s6;
	[sflag:s7] =	ssyncadd.s32 $0xFFFF0000  }
0x9b: {  	_ =	sfence.sel $0x180000  }
0x9c: {  	[bflag:$0x0] =	sbarrier.arrive $0xFFFF  }
0x9d: {  	p0 =	sne.s32 s1, $0x0;
	_ =	strace $0x90000047  }
0x9e: {  	s0 =	sadd.s32 @!p0 $0x100000, s0;
	[bflag:$0x2] =	sbarrier.arrive $0xFFFF  }
0x9f: {  	[sflag:s0] =	ssyncadd.tile.s32 @!p0 $0x1;
	_ =	shalt  }
.Lfunc_end2:
_tile_overlayer_lowered:
.L_overlay_start_2:
0xa0: {  	(tag) =	ssettag $0x2  }
0xa1: {  	s0 =	rddreg [dreg:$0x0];
	s2 =	stileid.u32  }
0xa2: {  	s1 =	rddreg [dreg:$0x1];
	p0 =	sne.s32 s2, $0x0  }
0xa3: {  	s3 =	rddreg [dreg:$0x2];
	[bflag:$0x3] =	sbarrier.arrive $0xFFFF;
	s2 =	simm.s32 @!p0 $0x1C02  }
0xa4: {  	[timem:s3], [sflag:s2] =	dma.local @!p0 [hbm:s0], s1  }
0xa5: {  	s0 =	simm.s32 @!p0 $0x2  }
0xa6: {  	_ =	swait.ge @!p0 [sflag:s0], s1  }
0xa7: {  	s1 =	ssub.s32 @!p0 $0x0, s1;
	[sflag:s0] =	ssyncset.done @!p0 $0x0  }
0xa8: {  	[sflag:s0] =	ssyncadd.s32 @!p0 s1  }
0xa9: {  	[bflag:$0x3] =	sbarrier.arrive $0xFFFF  }
0xaa: {  	_ =	shalt  }

</sc_bundles>
